<compile_context>
chip_gen: v7x
topology: tpu7x:2x2x1
jax: 0.10.2.dev20260603
libtpu: 0.0.44.dev20260713+nightly
codegen_flags: <defaults>
</compile_context>

<pallas_src>
import functools
import math

import jax
import jax.numpy as jnp
from jax import lax
from jax.experimental import pallas as pl
from jax.experimental.pallas import tpu as pltpu
from jax.experimental.pallas import tpu_sc as plsc

N = 16384
C = 128
NV = N // 16
COLS_PER_TILE = C // 32
EPS = 1e-06
MU = (N + 1) / 2.0
VAR = (N * N - 1) / 12.0
DENOM = math.sqrt(VAR + EPS) * math.sqrt(VAR + EPS) + EPS
SCALE = 1.0 / (C * N * DENOM)

SHIFTS = (0, 11, 22)
BITS = (11, 11, 10)
SIZES = tuple(1 << b for b in BITS)
BASES = (0, SIZES[0], SIZES[0] + SIZES[1])
HTOT = sum(SIZES)


def _iota16():
    return lax.iota(jnp.int32, 16)


def _transform(b):
    s = lax.shift_right_arithmetic(b, 31)
    return b ^ (s | jnp.int32(-2147483648))


def _digit(t, p):
    if SHIFTS[p] == 0:
        return lax.bitwise_and(t, jnp.int32(SIZES[p] - 1))
    d = lax.shift_right_logical(t, jnp.int32(SHIFTS[p]))
    if SHIFTS[p] + BITS[p] >= 32:
        return d
    return lax.bitwise_and(d, jnp.int32(SIZES[p] - 1))


def _hist_clear(hist):
    z = jnp.zeros((16,), jnp.int32)

    def body(i, _):
        for u in range(4):
            hist[pl.ds(i * 64 + u * 16, 16)] = z
        return 0

    lax.fori_loop(0, HTOT // 64, body, 0)


def _hist_sweep(raw, hist):
    ones = jnp.ones((16,), jnp.int32)

    def body(i, _):
        t = _transform(raw[pl.ds(i * 16, 16)])
        for p in range(3):
            d = _digit(t, p) + jnp.int32(BASES[p])
            plsc.addupdate_scatter(hist, [d], ones)
        return 0

    lax.fori_loop(0, NV, body, 0)


def _hist_scan(hist):
    for p in range(3):
        base = BASES[p]

        def body(i, tot, base=base):
            h = hist[pl.ds(base + i * 16, 16)]
            cs = plsc.cumsum(h)
            hist[pl.ds(base + i * 16, 16)] = cs - h + tot
            return tot + jnp.sum(h)

        lax.fori_loop(0, SIZES[p] // 16, body, jnp.int32(0))


def _permute(p, hist, load_kv, emit, dig=None):
    base = jnp.int32(BASES[p])
    dfn = _digit if dig is None else dig

    ones = jnp.ones((16,), jnp.int32)

    def body(i, carry):
        k, v = load_kv(i)
        d = dfn(k, p) + base
        g = plsc.load_gather(hist, [d])
        plsc.addupdate_scatter(hist, [d], ones)
        cnt, _ = plsc.scan_count(d)
        dest = g + cnt - 1
        return emit(dest, k, v, carry)

    return lax.fori_loop(0, NV, body, jnp.zeros((16,), jnp.float32))


def _rank_column(raw, keyy, valy, hist, rt, final_emit):
    keyx = raw

    _hist_clear(hist)
    _hist_sweep(raw, hist)
    _hist_scan(hist)

    iota = _iota16()

    def load1(i):
        return _transform(raw[pl.ds(i * 16, 16)]), i * 16 + iota

    def emit1(dest, k, v, carry):
        plsc.store_scatter(keyy, [dest], k)
        plsc.store_scatter(valy, [dest], v)
        return carry

    _permute(0, hist, load1, emit1)

    def load2(i):
        return keyy[pl.ds(i * 16, 16)], valy[pl.ds(i * 16, 16)]

    def emit2(dest, k, v, carry):
        pk = lax.bitwise_or(
            lax.shift_left(lax.shift_right_logical(k, 22), jnp.int32(14)), v)
        plsc.store_scatter(keyx, [dest], pk)
        return carry

    _permute(1, hist, load2, emit2)

    def load3(i):
        pk = keyx[pl.ds(i * 16, 16)]
        return pk, lax.bitwise_and(pk, jnp.int32(16383))

    def dig3(k, p):
        return lax.shift_right_logical(k, jnp.int32(14))

    return _permute(2, hist, load3, final_emit, dig=dig3)


mesh = plsc.VectorSubcoreMesh(core_axis_name="c", subcore_axis_name="s")


@functools.partial(
    pl.kernel,
    mesh=mesh,
    compiler_params=pltpu.CompilerParams(needs_layout_passes=False),
    out_type=jax.ShapeDtypeStruct((32, 16), jnp.float32),
    scratch_types=[
        pltpu.VMEM((N,), jnp.int32),
        pltpu.VMEM((N,), jnp.int32),
        pltpu.VMEM((N,), jnp.int32),
        pltpu.VMEM((N,), jnp.float32),
        pltpu.VMEM((HTOT,), jnp.int32),
        pltpu.VMEM((16,), jnp.float32),
    ],
)
def _sc_spearman(pred_hbm, tgt_hbm, out_hbm, raw, keyy, valy, rt, hist, accb):
    wid = lax.axis_index("s") * 2 + lax.axis_index("c")

    def col_body(j, acc):
        col = wid * COLS_PER_TILE + j

        pltpu.sync_copy(tgt_hbm.at[col], raw)

        def emit_t(dest, k, v, carry):
            rc = dest.astype(jnp.float32) - jnp.float32(MU - 1.0)
            plsc.store_scatter(rt, [v], rc)
            return carry

        _rank_column(raw, keyy, valy, hist, rt, emit_t)

        pltpu.sync_copy(pred_hbm.at[col], raw)

        def emit_p(dest, k, v, carry):
            rpc = dest.astype(jnp.float32) - jnp.float32(MU - 1.0)
            g = plsc.load_gather(rt, [v])
            return carry + rpc * g

        part = _rank_column(raw, keyy, valy, hist, rt, emit_p)
        return acc + part

    acc = lax.fori_loop(0, COLS_PER_TILE, col_body, jnp.zeros((16,), jnp.float32))
    accb[...] = acc
    pltpu.sync_copy(accb, out_hbm.at[wid])


def kernel(pred, target):
    pred_i = lax.bitcast_convert_type(pred.T, jnp.int32)
    tgt_i = lax.bitcast_convert_type(target.T, jnp.int32)
    partial = _sc_spearman(pred_i, tgt_i)
    return (-jnp.sum(partial) * jnp.float32(SCALE)).astype(jnp.float32)

# --- scband reference (transcript-rebuilt; emitter-appended) ---
"""Pipeline reference for scband-spearman-correlation-loss-67757404062132 (READ-ONLY COPY).

The authoritative reference and input builder live on the scoring server;
editing this copy changes nothing except your own understanding.
"""

import jax, jax.numpy as jnp
import numpy as np

EPS = 1e-06

def setup_inputs(seed: int = 0) -> dict:
    key = jax.random.key(seed)
    k1, k2 = jax.random.split(key)
    pred = jax.random.normal(k1, (16384, 128), dtype=jnp.float32)
    target = jax.random.normal(k2, (16384, 128), dtype=jnp.float32)
    return {"pred": pred, "target": target}

def _rank(x):
    # torch loop assigns ranks[sorted_indices[i]] = i+1 per column,
    # which equals double-argsort + 1 along the batch axis.
    return (jnp.argsort(jnp.argsort(x, axis=0), axis=0) + 1).astype(x.dtype)

def reference(pred, target):
    if pred.ndim == 3:
        pred = pred.reshape(-1, pred.shape[2])
    if target.ndim == 3:
        target = target.reshape(-1, target.shape[2])
    pred_ranks = _rank(pred)
    target_ranks = _rank(target)
    pred_ranks_centered = pred_ranks - pred_ranks.mean(axis=0, keepdims=True)
    target_ranks_centered = target_ranks - target_ranks.mean(axis=0, keepdims=True)
    covariance = (pred_ranks_centered * target_ranks_centered).mean(axis=0)
    pred_std = jnp.sqrt(jnp.var(pred_ranks, axis=0) + EPS)
    target_std = jnp.sqrt(jnp.var(target_ranks, axis=0) + EPS)
    correlation = covariance / (pred_std * target_std + EPS)
    return -correlation.mean()

if __name__ == "__main__":
    import jax
    _d = setup_inputs()
    print(jax.jit(kernel)(*tuple(_d.values())))

</pallas_src>

<mosaic_0001>
#map = affine_map<(d0, d1) -> (0, 0)>
module attributes {stable_mosaic.version = 14 : i64} {
  func.func @_sc_spearman(%arg0: i32, %arg1: i32, %arg2: memref<128x16384xi32, #tpu.memory_space<hbm>>, %arg3: memref<128x16384xi32, #tpu.memory_space<hbm>>, %arg4: memref<32x16xf32, #tpu.memory_space<hbm>>, %arg5: memref<16384xi32, #tpu.memory_space<vmem>>, %arg6: memref<16384xi32, #tpu.memory_space<vmem>>, %arg7: memref<16384xi32, #tpu.memory_space<vmem>>, %arg8: memref<16384xf32, #tpu.memory_space<vmem>>, %arg9: memref<5120xi32, #tpu.memory_space<vmem>>, %arg10: memref<16xf32, #tpu.memory_space<vmem>>) attributes {dimension_semantics = [#tpu.dimension_semantics<core_parallel>, #tpu.dimension_semantics<subcore_parallel>], iteration_bounds = array<i64: 2, 16>, scalar_prefetch = 0 : i64, scratch_operands = 6 : i64, tpu.core_type = #tpu.core_type<sc_vector_subcore>, window_params = [{transform_indices = #map}, {transform_indices = #map}, {transform_indices = #map}]} {
    %mul3A = arith.constant 2 : i32
    %mul3A_0 = arith.muli %arg1, %mul3A : i32
    %add3A = arith.addi %mul3A_0, %arg0 : i32
    %broadcast_in_dim3A = arith.constant 0.000000e+00 : f32
    %broadcast_in_dim3A_1 = vector.broadcast %broadcast_in_dim3A : f32 to vector<16xf32>
    %scan3A = arith.constant 0 : i32
    %scan3A_2 = arith.constant 4 : i32
    %scan3A_3 = arith.addi %scan3A, %scan3A_2 : i32
    %scan3A_4 = arith.constant 1 : i32
    %scan3A_5 = scf.for %scan3A_8 = %scan3A to %scan3A_3 step %scan3A_4 iter_args(%scan3A_9 = %broadcast_in_dim3A_1) -> (vector<16xf32>)  : i32 {
      %mul3A_10 = arith.constant 4 : i32
      %mul3A_11 = arith.muli %add3A, %mul3A_10 : i32
      %add3A_12 = arith.addi %mul3A_11, %scan3A_8 : i32
      "tpu.region"() ({
        %run_scoped3A = tpu.sem_alloc : memref<!tpu.dma_semaphore, #tpu.memory_space<semaphore_mem>>
        %dma_start3A = arith.constant 0 : i32
        %dma_start3A_154 = tpu.memref_slice %arg3[%add3A_12, %dma_start3A] : memref<128x16384xi32, #tpu.memory_space<hbm>> -> memref<1x16384xi32, #tpu.memory_space<hbm>>
        %dma_start3A_155 = tpu.memref_squeeze %dma_start3A_154 : memref<1x16384xi32, #tpu.memory_space<hbm>> -> memref<16384xi32, #tpu.memory_space<hbm>>
        %dma_start3A_156 = arith.constant 0 : i32
        %dma_start3A_157 = tpu.memref_slice %arg3[%add3A_12, %dma_start3A_156] : memref<128x16384xi32, #tpu.memory_space<hbm>> -> memref<1x16384xi32, #tpu.memory_space<hbm>>
        %dma_start3A_158 = tpu.memref_squeeze %dma_start3A_157 : memref<1x16384xi32, #tpu.memory_space<hbm>> -> memref<16384xi32, #tpu.memory_space<hbm>>
        tpu.enqueue_dma source(%dma_start3A_158 : memref<16384xi32, #tpu.memory_space<hbm>>) target(%arg5 : memref<16384xi32, #tpu.memory_space<vmem>>) target_semaphore(%run_scoped3A : memref<!tpu.dma_semaphore, #tpu.memory_space<semaphore_mem>>)
        %dma_wait3A = arith.constant 0 : i32
        %dma_wait3A_159 = tpu.memref_slice %arg3[%add3A_12, %dma_wait3A] : memref<128x16384xi32, #tpu.memory_space<hbm>> -> memref<1x16384xi32, #tpu.memory_space<hbm>>
        %dma_wait3A_160 = tpu.memref_squeeze %dma_wait3A_159 : memref<1x16384xi32, #tpu.memory_space<hbm>> -> memref<16384xi32, #tpu.memory_space<hbm>>
        %dma_wait3A_161 = arith.constant 0 : i32
        %dma_wait3A_162 = tpu.memref_slice %arg3[%add3A_12, %dma_wait3A_161] : memref<128x16384xi32, #tpu.memory_space<hbm>> -> memref<1x16384xi32, #tpu.memory_space<hbm>>
        %dma_wait3A_163 = tpu.memref_squeeze %dma_wait3A_162 : memref<1x16384xi32, #tpu.memory_space<hbm>> -> memref<16384xi32, #tpu.memory_space<hbm>>
        tpu.wait_dma2 semaphore(%run_scoped3A : memref<!tpu.dma_semaphore, #tpu.memory_space<semaphore_mem>>) src(%dma_wait3A_163 : memref<16384xi32, #tpu.memory_space<hbm>>) dst(%arg5 : memref<16384xi32, #tpu.memory_space<vmem>>)
        tpu.yield
      }) : () -> ()
      %broadcast_in_dim3A_13 = arith.constant 0 : i32
      %broadcast_in_dim3A_14 = vector.broadcast %broadcast_in_dim3A_13 : i32 to vector<16xi32>
      %scan3A_15 = arith.constant 0 : i32
      %scan3A_16 = arith.constant 0 : i32
      %scan3A_17 = arith.constant 80 : i32
      %scan3A_18 = arith.addi %scan3A_16, %scan3A_17 : i32
      %scan3A_19 = arith.constant 1 : i32
      %scan3A_20 = scf.for %scan3A_154 = %scan3A_16 to %scan3A_18 step %scan3A_19 iter_args(%scan3A_155 = %scan3A_15) -> (i32)  : i32 {
        %mul3A_156 = arith.constant 64 : i32
        %mul3A_157 = arith.muli %scan3A_154, %mul3A_156 : i32
        %add3A_158 = arith.constant 0 : i32
        %add3A_159 = arith.addi %mul3A_157, %add3A_158 : i32
        %swap3A_160 = arith.index_cast %add3A_159 : i32 to index
        %swap3A_161 = tpu.vector_load %arg9[%swap3A_160] {strides = array<i32>} : memref<5120xi32, #tpu.memory_space<vmem>>, vector<16xi32>,
        tpu.vector_store %arg9[%swap3A_160], %broadcast_in_dim3A_14 {strides = array<i32>} : memref<5120xi32, #tpu.memory_space<vmem>>, vector<16xi32>,
        %mul3A_162 = arith.constant 64 : i32
        %mul3A_163 = arith.muli %scan3A_154, %mul3A_162 : i32
        %add3A_164 = arith.constant 16 : i32
        %add3A_165 = arith.addi %mul3A_163, %add3A_164 : i32
        %swap3A_166 = arith.index_cast %add3A_165 : i32 to index
        %swap3A_167 = tpu.vector_load %arg9[%swap3A_166] {strides = array<i32>} : memref<5120xi32, #tpu.memory_space<vmem>>, vector<16xi32>,
        tpu.vector_store %arg9[%swap3A_166], %broadcast_in_dim3A_14 {strides = array<i32>} : memref<5120xi32, #tpu.memory_space<vmem>>, vector<16xi32>,
        %mul3A_168 = arith.constant 64 : i32
        %mul3A_169 = arith.muli %scan3A_154, %mul3A_168 : i32
        %add3A_170 = arith.constant 32 : i32
        %add3A_171 = arith.addi %mul3A_169, %add3A_170 : i32
        %swap3A_172 = arith.index_cast %add3A_171 : i32 to index
        %swap3A_173 = tpu.vector_load %arg9[%swap3A_172] {strides = array<i32>} : memref<5120xi32, #tpu.memory_space<vmem>>, vector<16xi32>,
        tpu.vector_store %arg9[%swap3A_172], %broadcast_in_dim3A_14 {strides = array<i32>} : memref<5120xi32, #tpu.memory_space<vmem>>, vector<16xi32>,
        %mul3A_174 = arith.constant 64 : i32
        %mul3A_175 = arith.muli %scan3A_154, %mul3A_174 : i32
        %add3A_176 = arith.constant 48 : i32
        %add3A_177 = arith.addi %mul3A_175, %add3A_176 : i32
        %swap3A_178 = arith.index_cast %add3A_177 : i32 to index
        %swap3A_179 = tpu.vector_load %arg9[%swap3A_178] {strides = array<i32>} : memref<5120xi32, #tpu.memory_space<vmem>>, vector<16xi32>,
        tpu.vector_store %arg9[%swap3A_178], %broadcast_in_dim3A_14 {strides = array<i32>} : memref<5120xi32, #tpu.memory_space<vmem>>, vector<16xi32>,
        %scan3A_180 = arith.constant 0 : i32
        scf.yield %scan3A_180 : i32
      }
      %scan3A_21 = arith.constant 80 : i32
      %broadcast_in_dim3A_22 = arith.constant 1 : i32
      %broadcast_in_dim3A_23 = vector.broadcast %broadcast_in_dim3A_22 : i32 to vector<16xi32>
      %scan3A_24 = arith.constant 0 : i32
      %scan3A_25 = arith.constant 0 : i32
      %scan3A_26 = arith.constant 1024 : i32
      %scan3A_27 = arith.addi %scan3A_25, %scan3A_26 : i32
      %scan3A_28 = arith.constant 1 : i32
      %scan3A_29 = scf.for %scan3A_154 = %scan3A_25 to %scan3A_27 step %scan3A_28 iter_args(%scan3A_155 = %scan3A_24) -> (i32)  : i32 {
        %mul3A_156 = arith.constant 16 : i32
        %mul3A_157 = arith.muli %scan3A_154, %mul3A_156 : i32
        %get3A = arith.index_cast %mul3A_157 : i32 to index
        %get3A_158 = tpu.vector_load %arg5[%get3A] {strides = array<i32>} : memref<16384xi32, #tpu.memory_space<vmem>>, vector<16xi32>,
        %shift_right_arithmetic3A = arith.constant 31 : i32
        %shift_right_arithmetic3A_159 = vector.broadcast %shift_right_arithmetic3A : i32 to vector<16xi32>
        %shift_right_arithmetic3A_160 = arith.shrsi %get3A_158, %shift_right_arithmetic3A_159 : vector<16xi32>
        %or3A = arith.constant -2147483648 : i32
        %or3A_161 = vector.broadcast %or3A : i32 to vector<16xi32>
        %or3A_162 = arith.ori %shift_right_arithmetic3A_160, %or3A_161 : vector<16xi32>
        %xor3A = arith.xori %get3A_158, %or3A_162 : vector<16xi32>
        %and3A = arith.constant 2047 : i32
        %and3A_163 = vector.broadcast %and3A : i32 to vector<16xi32>
        %and3A_164 = arith.andi %xor3A, %and3A_163 : vector<16xi32>
        %add3A_165 = arith.constant 0 : i32
        %add3A_166 = vector.broadcast %add3A_165 : i32 to vector<16xi32>
        %add3A_167 = arith.addi %and3A_164, %add3A_166 : vector<16xi32>
        tpu.vector_store_idx %arg9[%add3A_167], %broadcast_in_dim3A_23 {add = true} : memref<5120xi32, #tpu.memory_space<vmem>>[vector<16xi32>], vector<16xi32>,
        %shift_right_logical3A = arith.constant 11 : i32
        %shift_right_logical3A_168 = vector.broadcast %shift_right_logical3A : i32 to vector<16xi32>
        %shift_right_logical3A_169 = arith.shrui %xor3A, %shift_right_logical3A_168 : vector<16xi32>
        %and3A_170 = arith.constant 2047 : i32
        %and3A_171 = vector.broadcast %and3A_170 : i32 to vector<16xi32>
        %and3A_172 = arith.andi %shift_right_logical3A_169, %and3A_171 : vector<16xi32>
        %add3A_173 = arith.constant 2048 : i32
        %add3A_174 = vector.broadcast %add3A_173 : i32 to vector<16xi32>
        %add3A_175 = arith.addi %and3A_172, %add3A_174 : vector<16xi32>
        tpu.vector_store_idx %arg9[%add3A_175], %broadcast_in_dim3A_23 {add = true} : memref<5120xi32, #tpu.memory_space<vmem>>[vector<16xi32>], vector<16xi32>,
        %shift_right_logical3A_176 = arith.constant 22 : i32
        %shift_right_logical3A_177 = vector.broadcast %shift_right_logical3A_176 : i32 to vector<16xi32>
        %shift_right_logical3A_178 = arith.shrui %xor3A, %shift_right_logical3A_177 : vector<16xi32>
        %add3A_179 = arith.constant 4096 : i32
        %add3A_180 = vector.broadcast %add3A_179 : i32 to vector<16xi32>
        %add3A_181 = arith.addi %shift_right_logical3A_178, %add3A_180 : vector<16xi32>
        tpu.vector_store_idx %arg9[%add3A_181], %broadcast_in_dim3A_23 {add = true} : memref<5120xi32, #tpu.memory_space<vmem>>[vector<16xi32>], vector<16xi32>,
        %scan3A_182 = arith.constant 0 : i32
        scf.yield %scan3A_182 : i32
      }
      %scan3A_30 = arith.constant 1024 : i32
      %scan3A_31 = arith.constant 0 : i32
      %scan3A_32 = arith.constant 0 : i32
      %scan3A_33 = arith.constant 128 : i32
      %scan3A_34 = arith.addi %scan3A_32, %scan3A_33 : i32
      %scan3A_35 = arith.constant 1 : i32
      %scan3A_36 = scf.for %scan3A_154 = %scan3A_32 to %scan3A_34 step %scan3A_35 iter_args(%scan3A_155 = %scan3A_31) -> (i32)  : i32 {
        %mul3A_156 = arith.constant 16 : i32
        %mul3A_157 = arith.muli %scan3A_154, %mul3A_156 : i32
        %add3A_158 = arith.constant 0 : i32
        %add3A_159 = arith.addi %add3A_158, %mul3A_157 : i32
        %get3A = arith.index_cast %add3A_159 : i32 to index
        %get3A_160 = tpu.vector_load %arg9[%get3A] {strides = array<i32>} : memref<5120xi32, #tpu.memory_space<vmem>>, vector<16xi32>,
        %broadcast_in_dim3A_161 = arith.constant true
        %broadcast_in_dim3A_162 = vector.broadcast %broadcast_in_dim3A_161 : i1 to vector<16xi1>
        %masked_cumsum3A = tpu.scan <sum>, %get3A_160 masked %broadcast_in_dim3A_162 : vector<16xi32>, vector<16xi1> -> vector<16xi32>
        %sub3A = arith.subi %masked_cumsum3A, %get3A_160 : vector<16xi32>
        %add3A_163 = vector.broadcast %scan3A_155 : i32 to vector<16xi32>
        %add3A_164 = arith.addi %sub3A, %add3A_163 : vector<16xi32>
        %mul3A_165 = arith.constant 16 : i32
        %mul3A_166 = arith.muli %scan3A_154, %mul3A_165 : i32
        %add3A_167 = arith.constant 0 : i32
        %add3A_168 = arith.addi %add3A_167, %mul3A_166 : i32
        %swap3A_169 = arith.index_cast %add3A_168 : i32 to index
        %swap3A_170 = tpu.vector_load %arg9[%swap3A_169] {strides = array<i32>} : memref<5120xi32, #tpu.memory_space<vmem>>, vector<16xi32>,
        tpu.vector_store %arg9[%swap3A_169], %add3A_164 {strides = array<i32>} : memref<5120xi32, #tpu.memory_space<vmem>>, vector<16xi32>,
        %reduce_sum3A = arith.constant true
        %reduce_sum3A_171 = vector.broadcast %reduce_sum3A : i1 to vector<16xi1>
        %reduce_sum3A_172 = tpu.scan <sum>, %get3A_160 masked %reduce_sum3A_171 : vector<16xi32>, vector<16xi1> -> vector<16xi32>
        %reduce_sum3A_173 = vector.extract %reduce_sum3A_172[15] : i32 from vector<16xi32>
        %add3A_174 = arith.addi %scan3A_155, %reduce_sum3A_173 : i32
        scf.yield %add3A_174 : i32
      }
      %scan3A_37 = arith.constant 128 : i32
      %scan3A_38 = arith.constant 0 : i32
      %scan3A_39 = arith.constant 0 : i32
      %scan3A_40 = arith.constant 128 : i32
      %scan3A_41 = arith.addi %scan3A_39, %scan3A_40 : i32
      %scan3A_42 = arith.constant 1 : i32
      %scan3A_43 = scf.for %scan3A_154 = %scan3A_39 to %scan3A_41 step %scan3A_42 iter_args(%scan3A_155 = %scan3A_38) -> (i32)  : i32 {
        %mul3A_156 = arith.constant 16 : i32
        %mul3A_157 = arith.muli %scan3A_154, %mul3A_156 : i32
        %add3A_158 = arith.constant 2048 : i32
        %add3A_159 = arith.addi %add3A_158, %mul3A_157 : i32
        %get3A = arith.index_cast %add3A_159 : i32 to index
        %get3A_160 = tpu.vector_load %arg9[%get3A] {strides = array<i32>} : memref<5120xi32, #tpu.memory_space<vmem>>, vector<16xi32>,
        %broadcast_in_dim3A_161 = arith.constant true
        %broadcast_in_dim3A_162 = vector.broadcast %broadcast_in_dim3A_161 : i1 to vector<16xi1>
        %masked_cumsum3A = tpu.scan <sum>, %get3A_160 masked %broadcast_in_dim3A_162 : vector<16xi32>, vector<16xi1> -> vector<16xi32>
        %sub3A = arith.subi %masked_cumsum3A, %get3A_160 : vector<16xi32>
        %add3A_163 = vector.broadcast %scan3A_155 : i32 to vector<16xi32>
        %add3A_164 = arith.addi %sub3A, %add3A_163 : vector<16xi32>
        %mul3A_165 = arith.constant 16 : i32
        %mul3A_166 = arith.muli %scan3A_154, %mul3A_165 : i32
        %add3A_167 = arith.constant 2048 : i32
        %add3A_168 = arith.addi %add3A_167, %mul3A_166 : i32
        %swap3A_169 = arith.index_cast %add3A_168 : i32 to index
        %swap3A_170 = tpu.vector_load %arg9[%swap3A_169] {strides = array<i32>} : memref<5120xi32, #tpu.memory_space<vmem>>, vector<16xi32>,
        tpu.vector_store %arg9[%swap3A_169], %add3A_164 {strides = array<i32>} : memref<5120xi32, #tpu.memory_space<vmem>>, vector<16xi32>,
        %reduce_sum3A = arith.constant true
        %reduce_sum3A_171 = vector.broadcast %reduce_sum3A : i1 to vector<16xi1>
        %reduce_sum3A_172 = tpu.scan <sum>, %get3A_160 masked %reduce_sum3A_171 : vector<16xi32>, vector<16xi1> -> vector<16xi32>
        %reduce_sum3A_173 = vector.extract %reduce_sum3A_172[15] : i32 from vector<16xi32>
        %add3A_174 = arith.addi %scan3A_155, %reduce_sum3A_173 : i32
        scf.yield %add3A_174 : i32
      }
      %scan3A_44 = arith.constant 128 : i32
      %scan3A_45 = arith.constant 0 : i32
      %scan3A_46 = arith.constant 0 : i32
      %scan3A_47 = arith.constant 64 : i32
      %scan3A_48 = arith.addi %scan3A_46, %scan3A_47 : i32
      %scan3A_49 = arith.constant 1 : i32
      %scan3A_50 = scf.for %scan3A_154 = %scan3A_46 to %scan3A_48 step %scan3A_49 iter_args(%scan3A_155 = %scan3A_45) -> (i32)  : i32 {
        %mul3A_156 = arith.constant 16 : i32
        %mul3A_157 = arith.muli %scan3A_154, %mul3A_156 : i32
        %add3A_158 = arith.constant 4096 : i32
        %add3A_159 = arith.addi %add3A_158, %mul3A_157 : i32
        %get3A = arith.index_cast %add3A_159 : i32 to index
        %get3A_160 = tpu.vector_load %arg9[%get3A] {strides = array<i32>} : memref<5120xi32, #tpu.memory_space<vmem>>, vector<16xi32>,
        %broadcast_in_dim3A_161 = arith.constant true
        %broadcast_in_dim3A_162 = vector.broadcast %broadcast_in_dim3A_161 : i1 to vector<16xi1>
        %masked_cumsum3A = tpu.scan <sum>, %get3A_160 masked %broadcast_in_dim3A_162 : vector<16xi32>, vector<16xi1> -> vector<16xi32>
        %sub3A = arith.subi %masked_cumsum3A, %get3A_160 : vector<16xi32>
        %add3A_163 = vector.broadcast %scan3A_155 : i32 to vector<16xi32>
        %add3A_164 = arith.addi %sub3A, %add3A_163 : vector<16xi32>
        %mul3A_165 = arith.constant 16 : i32
        %mul3A_166 = arith.muli %scan3A_154, %mul3A_165 : i32
        %add3A_167 = arith.constant 4096 : i32
        %add3A_168 = arith.addi %add3A_167, %mul3A_166 : i32
        %swap3A_169 = arith.index_cast %add3A_168 : i32 to index
        %swap3A_170 = tpu.vector_load %arg9[%swap3A_169] {strides = array<i32>} : memref<5120xi32, #tpu.memory_space<vmem>>, vector<16xi32>,
        tpu.vector_store %arg9[%swap3A_169], %add3A_164 {strides = array<i32>} : memref<5120xi32, #tpu.memory_space<vmem>>, vector<16xi32>,
        %reduce_sum3A = arith.constant true
        %reduce_sum3A_171 = vector.broadcast %reduce_sum3A : i1 to vector<16xi1>
        %reduce_sum3A_172 = tpu.scan <sum>, %get3A_160 masked %reduce_sum3A_171 : vector<16xi32>, vector<16xi1> -> vector<16xi32>
        %reduce_sum3A_173 = vector.extract %reduce_sum3A_172[15] : i32 from vector<16xi32>
        %add3A_174 = arith.addi %scan3A_155, %reduce_sum3A_173 : i32
        scf.yield %add3A_174 : i32
      }
      %scan3A_51 = arith.constant 64 : i32
      %iota3A = tpu.iota {dimensions = array<i32: 0>} : vector<16xi32>
      %broadcast_in_dim3A_52 = arith.constant 1 : i32
      %broadcast_in_dim3A_53 = vector.broadcast %broadcast_in_dim3A_52 : i32 to vector<16xi32>
      %broadcast_in_dim3A_54 = arith.constant 0.000000e+00 : f32
      %broadcast_in_dim3A_55 = vector.broadcast %broadcast_in_dim3A_54 : f32 to vector<16xf32>
      %scan3A_56 = arith.constant 0 : i32
      %scan3A_57 = arith.constant 0 : i32
      %scan3A_58 = arith.constant 1024 : i32
      %scan3A_59 = arith.addi %scan3A_57, %scan3A_58 : i32
      %scan3A_60 = arith.constant 1 : i32
      scf.for %scan3A_154 = %scan3A_57 to %scan3A_59 step %scan3A_60  : i32 {
        %mul3A_155 = arith.constant 16 : i32
        %mul3A_156 = arith.muli %scan3A_154, %mul3A_155 : i32
        %get3A = arith.index_cast %mul3A_156 : i32 to index
        %get3A_157 = tpu.vector_load %arg5[%get3A] {strides = array<i32>} : memref<16384xi32, #tpu.memory_space<vmem>>, vector<16xi32>,
        %shift_right_arithmetic3A = arith.constant 31 : i32
        %shift_right_arithmetic3A_158 = vector.broadcast %shift_right_arithmetic3A : i32 to vector<16xi32>
        %shift_right_arithmetic3A_159 = arith.shrsi %get3A_157, %shift_right_arithmetic3A_158 : vector<16xi32>
        %or3A = arith.constant -2147483648 : i32
        %or3A_160 = vector.broadcast %or3A : i32 to vector<16xi32>
        %or3A_161 = arith.ori %shift_right_arithmetic3A_159, %or3A_160 : vector<16xi32>
        %xor3A = arith.xori %get3A_157, %or3A_161 : vector<16xi32>
        %mul3A_162 = arith.constant 16 : i32
        %mul3A_163 = arith.muli %scan3A_154, %mul3A_162 : i32
        %add3A_164 = vector.broadcast %mul3A_163 : i32 to vector<16xi32>
        %add3A_165 = arith.addi %add3A_164, %iota3A : vector<16xi32>
        %and3A = arith.constant 2047 : i32
        %and3A_166 = vector.broadcast %and3A : i32 to vector<16xi32>
        %and3A_167 = arith.andi %xor3A, %and3A_166 : vector<16xi32>
        %add3A_168 = vector.broadcast %scan3A_56 : i32 to vector<16xi32>
        %add3A_169 = arith.addi %and3A_167, %add3A_168 : vector<16xi32>
        %gather3A = tpu.vector_load_idx %arg9[%add3A_169] : memref<5120xi32, #tpu.memory_space<vmem>>[vector<16xi32>], vector<16xi32>,
        tpu.vector_store_idx %arg9[%add3A_169], %broadcast_in_dim3A_53 {add = true} : memref<5120xi32, #tpu.memory_space<vmem>>[vector<16xi32>], vector<16xi32>,
        %broadcast_in_dim3A_170 = arith.constant true
        %broadcast_in_dim3A_171 = vector.broadcast %broadcast_in_dim3A_170 : i1 to vector<16xi1>
        %unique3A, %unique3A_172 = tpu.scan_count mask(%broadcast_in_dim3A_171 : vector<16xi1>) value(%add3A_169 : vector<16xi32>) : vector<16xi1>, vector<16xi32>
        %add3A_173 = arith.addi %gather3A, %unique3A_172 : vector<16xi32>
        %sub3A = arith.constant 1 : i32
        %sub3A_174 = vector.broadcast %sub3A : i32 to vector<16xi32>
        %sub3A_175 = arith.subi %add3A_173, %sub3A_174 : vector<16xi32>
        tpu.vector_store_idx %arg6[%sub3A_175], %xor3A : memref<16384xi32, #tpu.memory_space<vmem>>[vector<16xi32>], vector<16xi32>,
        tpu.vector_store_idx %arg7[%sub3A_175], %add3A_165 : memref<16384xi32, #tpu.memory_space<vmem>>[vector<16xi32>], vector<16xi32>,
      }
      %scan3A_61 = arith.constant 1024 : i32
      %broadcast_in_dim3A_62 = arith.constant 1 : i32
      %broadcast_in_dim3A_63 = vector.broadcast %broadcast_in_dim3A_62 : i32 to vector<16xi32>
      %broadcast_in_dim3A_64 = arith.constant 0.000000e+00 : f32
      %broadcast_in_dim3A_65 = vector.broadcast %broadcast_in_dim3A_64 : f32 to vector<16xf32>
      %scan3A_66 = arith.constant 2048 : i32
      %scan3A_67 = arith.constant 0 : i32
      %scan3A_68 = arith.constant 1024 : i32
      %scan3A_69 = arith.addi %scan3A_67, %scan3A_68 : i32
      %scan3A_70 = arith.constant 1 : i32
      scf.for %scan3A_154 = %scan3A_67 to %scan3A_69 step %scan3A_70  : i32 {
        %mul3A_155 = arith.constant 16 : i32
        %mul3A_156 = arith.muli %scan3A_154, %mul3A_155 : i32
        %get3A = arith.index_cast %mul3A_156 : i32 to index
        %get3A_157 = tpu.vector_load %arg6[%get3A] {strides = array<i32>} : memref<16384xi32, #tpu.memory_space<vmem>>, vector<16xi32>,
        %mul3A_158 = arith.constant 16 : i32
        %mul3A_159 = arith.muli %scan3A_154, %mul3A_158 : i32
        %get3A_160 = arith.index_cast %mul3A_159 : i32 to index
        %get3A_161 = tpu.vector_load %arg7[%get3A_160] {strides = array<i32>} : memref<16384xi32, #tpu.memory_space<vmem>>, vector<16xi32>,
        %shift_right_logical3A = arith.constant 11 : i32
        %shift_right_logical3A_162 = vector.broadcast %shift_right_logical3A : i32 to vector<16xi32>
        %shift_right_logical3A_163 = arith.shrui %get3A_157, %shift_right_logical3A_162 : vector<16xi32>
        %and3A = arith.constant 2047 : i32
        %and3A_164 = vector.broadcast %and3A : i32 to vector<16xi32>
        %and3A_165 = arith.andi %shift_right_logical3A_163, %and3A_164 : vector<16xi32>
        %add3A_166 = vector.broadcast %scan3A_66 : i32 to vector<16xi32>
        %add3A_167 = arith.addi %and3A_165, %add3A_166 : vector<16xi32>
        %gather3A = tpu.vector_load_idx %arg9[%add3A_167] : memref<5120xi32, #tpu.memory_space<vmem>>[vector<16xi32>], vector<16xi32>,
        tpu.vector_store_idx %arg9[%add3A_167], %broadcast_in_dim3A_63 {add = true} : memref<5120xi32, #tpu.memory_space<vmem>>[vector<16xi32>], vector<16xi32>,
        %broadcast_in_dim3A_168 = arith.constant true
        %broadcast_in_dim3A_169 = vector.broadcast %broadcast_in_dim3A_168 : i1 to vector<16xi1>
        %unique3A, %unique3A_170 = tpu.scan_count mask(%broadcast_in_dim3A_169 : vector<16xi1>) value(%add3A_167 : vector<16xi32>) : vector<16xi1>, vector<16xi32>
        %add3A_171 = arith.addi %gather3A, %unique3A_170 : vector<16xi32>
        %sub3A = arith.constant 1 : i32
        %sub3A_172 = vector.broadcast %sub3A : i32 to vector<16xi32>
        %sub3A_173 = arith.subi %add3A_171, %sub3A_172 : vector<16xi32>
        %shift_right_logical3A_174 = arith.constant 22 : i32
        %shift_right_logical3A_175 = vector.broadcast %shift_right_logical3A_174 : i32 to vector<16xi32>
        %shift_right_logical3A_176 = arith.shrui %get3A_157, %shift_right_logical3A_175 : vector<16xi32>
        %shift_left3A = arith.constant 14 : i32
        %shift_left3A_177 = vector.broadcast %shift_left3A : i32 to vector<16xi32>
        %shift_left3A_178 = arith.shli %shift_right_logical3A_176, %shift_left3A_177 : vector<16xi32>
        %or3A = arith.ori %shift_left3A_178, %get3A_161 : vector<16xi32>
        tpu.vector_store_idx %arg5[%sub3A_173], %or3A : memref<16384xi32, #tpu.memory_space<vmem>>[vector<16xi32>], vector<16xi32>,
      }
      %scan3A_71 = arith.constant 1024 : i32
      %broadcast_in_dim3A_72 = arith.constant 1 : i32
      %broadcast_in_dim3A_73 = vector.broadcast %broadcast_in_dim3A_72 : i32 to vector<16xi32>
      %broadcast_in_dim3A_74 = arith.constant 0.000000e+00 : f32
      %broadcast_in_dim3A_75 = vector.broadcast %broadcast_in_dim3A_74 : f32 to vector<16xf32>
      %scan3A_76 = arith.constant 4096 : i32
      %scan3A_77 = arith.constant 0 : i32
      %scan3A_78 = arith.constant 1024 : i32
      %scan3A_79 = arith.addi %scan3A_77, %scan3A_78 : i32
      %scan3A_80 = arith.constant 1 : i32
      scf.for %scan3A_154 = %scan3A_77 to %scan3A_79 step %scan3A_80  : i32 {
        %mul3A_155 = arith.constant 16 : i32
        %mul3A_156 = arith.muli %scan3A_154, %mul3A_155 : i32
        %get3A = arith.index_cast %mul3A_156 : i32 to index
        %get3A_157 = tpu.vector_load %arg5[%get3A] {strides = array<i32>} : memref<16384xi32, #tpu.memory_space<vmem>>, vector<16xi32>,
        %and3A = arith.constant 16383 : i32
        %and3A_158 = vector.broadcast %and3A : i32 to vector<16xi32>
        %and3A_159 = arith.andi %get3A_157, %and3A_158 : vector<16xi32>
        %shift_right_logical3A = arith.constant 14 : i32
        %shift_right_logical3A_160 = vector.broadcast %shift_right_logical3A : i32 to vector<16xi32>
        %shift_right_logical3A_161 = arith.shrui %get3A_157, %shift_right_logical3A_160 : vector<16xi32>
        %add3A_162 = vector.broadcast %scan3A_76 : i32 to vector<16xi32>
        %add3A_163 = arith.addi %shift_right_logical3A_161, %add3A_162 : vector<16xi32>
        %gather3A = tpu.vector_load_idx %arg9[%add3A_163] : memref<5120xi32, #tpu.memory_space<vmem>>[vector<16xi32>], vector<16xi32>,
        tpu.vector_store_idx %arg9[%add3A_163], %broadcast_in_dim3A_73 {add = true} : memref<5120xi32, #tpu.memory_space<vmem>>[vector<16xi32>], vector<16xi32>,
        %broadcast_in_dim3A_164 = arith.constant true
        %broadcast_in_dim3A_165 = vector.broadcast %broadcast_in_dim3A_164 : i1 to vector<16xi1>
        %unique3A, %unique3A_166 = tpu.scan_count mask(%broadcast_in_dim3A_165 : vector<16xi1>) value(%add3A_163 : vector<16xi32>) : vector<16xi1>, vector<16xi32>
        %add3A_167 = arith.addi %gather3A, %unique3A_166 : vector<16xi32>
        %sub3A = arith.constant 1 : i32
        %sub3A_168 = vector.broadcast %sub3A : i32 to vector<16xi32>
        %sub3A_169 = arith.subi %add3A_167, %sub3A_168 : vector<16xi32>
        %convert_element_type3A = arith.sitofp %sub3A_169 : vector<16xi32> to vector<16xf32>
        %sub3A_170 = arith.constant 8.191500e+03 : f32
        %sub3A_171 = vector.broadcast %sub3A_170 : f32 to vector<16xf32>
        %sub3A_172 = arith.subf %convert_element_type3A, %sub3A_171 : vector<16xf32>
        tpu.vector_store_idx %arg8[%and3A_159], %sub3A_172 : memref<16384xf32, #tpu.memory_space<vmem>>[vector<16xi32>], vector<16xf32>,
      }
      %scan3A_81 = arith.constant 1024 : i32
      "tpu.region"() ({
        %run_scoped3A = tpu.sem_alloc : memref<!tpu.dma_semaphore, #tpu.memory_space<semaphore_mem>>
        %dma_start3A = arith.constant 0 : i32
        %dma_start3A_154 = tpu.memref_slice %arg2[%add3A_12, %dma_start3A] : memref<128x16384xi32, #tpu.memory_space<hbm>> -> memref<1x16384xi32, #tpu.memory_space<hbm>>
        %dma_start3A_155 = tpu.memref_squeeze %dma_start3A_154 : memref<1x16384xi32, #tpu.memory_space<hbm>> -> memref<16384xi32, #tpu.memory_space<hbm>>
        %dma_start3A_156 = arith.constant 0 : i32
        %dma_start3A_157 = tpu.memref_slice %arg2[%add3A_12, %dma_start3A_156] : memref<128x16384xi32, #tpu.memory_space<hbm>> -> memref<1x16384xi32, #tpu.memory_space<hbm>>
        %dma_start3A_158 = tpu.memref_squeeze %dma_start3A_157 : memref<1x16384xi32, #tpu.memory_space<hbm>> -> memref<16384xi32, #tpu.memory_space<hbm>>
        tpu.enqueue_dma source(%dma_start3A_158 : memref<16384xi32, #tpu.memory_space<hbm>>) target(%arg5 : memref<16384xi32, #tpu.memory_space<vmem>>) target_semaphore(%run_scoped3A : memref<!tpu.dma_semaphore, #tpu.memory_space<semaphore_mem>>)
        %dma_wait3A = arith.constant 0 : i32
        %dma_wait3A_159 = tpu.memref_slice %arg2[%add3A_12, %dma_wait3A] : memref<128x16384xi32, #tpu.memory_space<hbm>> -> memref<1x16384xi32, #tpu.memory_space<hbm>>
        %dma_wait3A_160 = tpu.memref_squeeze %dma_wait3A_159 : memref<1x16384xi32, #tpu.memory_space<hbm>> -> memref<16384xi32, #tpu.memory_space<hbm>>
        %dma_wait3A_161 = arith.constant 0 : i32
        %dma_wait3A_162 = tpu.memref_slice %arg2[%add3A_12, %dma_wait3A_161] : memref<128x16384xi32, #tpu.memory_space<hbm>> -> memref<1x16384xi32, #tpu.memory_space<hbm>>
        %dma_wait3A_163 = tpu.memref_squeeze %dma_wait3A_162 : memref<1x16384xi32, #tpu.memory_space<hbm>> -> memref<16384xi32, #tpu.memory_space<hbm>>
        tpu.wait_dma2 semaphore(%run_scoped3A : memref<!tpu.dma_semaphore, #tpu.memory_space<semaphore_mem>>) src(%dma_wait3A_163 : memref<16384xi32, #tpu.memory_space<hbm>>) dst(%arg5 : memref<16384xi32, #tpu.memory_space<vmem>>)
        tpu.yield
      }) : () -> ()
      %broadcast_in_dim3A_82 = arith.constant 0 : i32
      %broadcast_in_dim3A_83 = vector.broadcast %broadcast_in_dim3A_82 : i32 to vector<16xi32>
      %scan3A_84 = arith.constant 0 : i32
      %scan3A_85 = arith.constant 0 : i32
      %scan3A_86 = arith.constant 80 : i32
      %scan3A_87 = arith.addi %scan3A_85, %scan3A_86 : i32
      %scan3A_88 = arith.constant 1 : i32
      %scan3A_89 = scf.for %scan3A_154 = %scan3A_85 to %scan3A_87 step %scan3A_88 iter_args(%scan3A_155 = %scan3A_84) -> (i32)  : i32 {
        %mul3A_156 = arith.constant 64 : i32
        %mul3A_157 = arith.muli %scan3A_154, %mul3A_156 : i32
        %add3A_158 = arith.constant 0 : i32
        %add3A_159 = arith.addi %mul3A_157, %add3A_158 : i32
        %swap3A_160 = arith.index_cast %add3A_159 : i32 to index
        %swap3A_161 = tpu.vector_load %arg9[%swap3A_160] {strides = array<i32>} : memref<5120xi32, #tpu.memory_space<vmem>>, vector<16xi32>,
        tpu.vector_store %arg9[%swap3A_160], %broadcast_in_dim3A_83 {strides = array<i32>} : memref<5120xi32, #tpu.memory_space<vmem>>, vector<16xi32>,
        %mul3A_162 = arith.constant 64 : i32
        %mul3A_163 = arith.muli %scan3A_154, %mul3A_162 : i32
        %add3A_164 = arith.constant 16 : i32
        %add3A_165 = arith.addi %mul3A_163, %add3A_164 : i32
        %swap3A_166 = arith.index_cast %add3A_165 : i32 to index
        %swap3A_167 = tpu.vector_load %arg9[%swap3A_166] {strides = array<i32>} : memref<5120xi32, #tpu.memory_space<vmem>>, vector<16xi32>,
        tpu.vector_store %arg9[%swap3A_166], %broadcast_in_dim3A_83 {strides = array<i32>} : memref<5120xi32, #tpu.memory_space<vmem>>, vector<16xi32>,
        %mul3A_168 = arith.constant 64 : i32
        %mul3A_169 = arith.muli %scan3A_154, %mul3A_168 : i32
        %add3A_170 = arith.constant 32 : i32
        %add3A_171 = arith.addi %mul3A_169, %add3A_170 : i32
        %swap3A_172 = arith.index_cast %add3A_171 : i32 to index
        %swap3A_173 = tpu.vector_load %arg9[%swap3A_172] {strides = array<i32>} : memref<5120xi32, #tpu.memory_space<vmem>>, vector<16xi32>,
        tpu.vector_store %arg9[%swap3A_172], %broadcast_in_dim3A_83 {strides = array<i32>} : memref<5120xi32, #tpu.memory_space<vmem>>, vector<16xi32>,
        %mul3A_174 = arith.constant 64 : i32
        %mul3A_175 = arith.muli %scan3A_154, %mul3A_174 : i32
        %add3A_176 = arith.constant 48 : i32
        %add3A_177 = arith.addi %mul3A_175, %add3A_176 : i32
        %swap3A_178 = arith.index_cast %add3A_177 : i32 to index
        %swap3A_179 = tpu.vector_load %arg9[%swap3A_178] {strides = array<i32>} : memref<5120xi32, #tpu.memory_space<vmem>>, vector<16xi32>,
        tpu.vector_store %arg9[%swap3A_178], %broadcast_in_dim3A_83 {strides = array<i32>} : memref<5120xi32, #tpu.memory_space<vmem>>, vector<16xi32>,
        %scan3A_180 = arith.constant 0 : i32
        scf.yield %scan3A_180 : i32
      }
      %scan3A_90 = arith.constant 80 : i32
      %broadcast_in_dim3A_91 = arith.constant 1 : i32
      %broadcast_in_dim3A_92 = vector.broadcast %broadcast_in_dim3A_91 : i32 to vector<16xi32>
      %scan3A_93 = arith.constant 0 : i32
      %scan3A_94 = arith.constant 0 : i32
      %scan3A_95 = arith.constant 1024 : i32
      %scan3A_96 = arith.addi %scan3A_94, %scan3A_95 : i32
      %scan3A_97 = arith.constant 1 : i32
      %scan3A_98 = scf.for %scan3A_154 = %scan3A_94 to %scan3A_96 step %scan3A_97 iter_args(%scan3A_155 = %scan3A_93) -> (i32)  : i32 {
        %mul3A_156 = arith.constant 16 : i32
        %mul3A_157 = arith.muli %scan3A_154, %mul3A_156 : i32
        %get3A = arith.index_cast %mul3A_157 : i32 to index
        %get3A_158 = tpu.vector_load %arg5[%get3A] {strides = array<i32>} : memref<16384xi32, #tpu.memory_space<vmem>>, vector<16xi32>,
        %shift_right_arithmetic3A = arith.constant 31 : i32
        %shift_right_arithmetic3A_159 = vector.broadcast %shift_right_arithmetic3A : i32 to vector<16xi32>
        %shift_right_arithmetic3A_160 = arith.shrsi %get3A_158, %shift_right_arithmetic3A_159 : vector<16xi32>
        %or3A = arith.constant -2147483648 : i32
        %or3A_161 = vector.broadcast %or3A : i32 to vector<16xi32>
        %or3A_162 = arith.ori %shift_right_arithmetic3A_160, %or3A_161 : vector<16xi32>
        %xor3A = arith.xori %get3A_158, %or3A_162 : vector<16xi32>
        %and3A = arith.constant 2047 : i32
        %and3A_163 = vector.broadcast %and3A : i32 to vector<16xi32>
        %and3A_164 = arith.andi %xor3A, %and3A_163 : vector<16xi32>
        %add3A_165 = arith.constant 0 : i32
        %add3A_166 = vector.broadcast %add3A_165 : i32 to vector<16xi32>
        %add3A_167 = arith.addi %and3A_164, %add3A_166 : vector<16xi32>
        tpu.vector_store_idx %arg9[%add3A_167], %broadcast_in_dim3A_92 {add = true} : memref<5120xi32, #tpu.memory_space<vmem>>[vector<16xi32>], vector<16xi32>,
        %shift_right_logical3A = arith.constant 11 : i32
        %shift_right_logical3A_168 = vector.broadcast %shift_right_logical3A : i32 to vector<16xi32>
        %shift_right_logical3A_169 = arith.shrui %xor3A, %shift_right_logical3A_168 : vector<16xi32>
        %and3A_170 = arith.constant 2047 : i32
        %and3A_171 = vector.broadcast %and3A_170 : i32 to vector<16xi32>
        %and3A_172 = arith.andi %shift_right_logical3A_169, %and3A_171 : vector<16xi32>
        %add3A_173 = arith.constant 2048 : i32
        %add3A_174 = vector.broadcast %add3A_173 : i32 to vector<16xi32>
        %add3A_175 = arith.addi %and3A_172, %add3A_174 : vector<16xi32>
        tpu.vector_store_idx %arg9[%add3A_175], %broadcast_in_dim3A_92 {add = true} : memref<5120xi32, #tpu.memory_space<vmem>>[vector<16xi32>], vector<16xi32>,
        %shift_right_logical3A_176 = arith.constant 22 : i32
        %shift_right_logical3A_177 = vector.broadcast %shift_right_logical3A_176 : i32 to vector<16xi32>
        %shift_right_logical3A_178 = arith.shrui %xor3A, %shift_right_logical3A_177 : vector<16xi32>
        %add3A_179 = arith.constant 4096 : i32
        %add3A_180 = vector.broadcast %add3A_179 : i32 to vector<16xi32>
        %add3A_181 = arith.addi %shift_right_logical3A_178, %add3A_180 : vector<16xi32>
        tpu.vector_store_idx %arg9[%add3A_181], %broadcast_in_dim3A_92 {add = true} : memref<5120xi32, #tpu.memory_space<vmem>>[vector<16xi32>], vector<16xi32>,
        %scan3A_182 = arith.constant 0 : i32
        scf.yield %scan3A_182 : i32
      }
      %scan3A_99 = arith.constant 1024 : i32
      %scan3A_100 = arith.constant 0 : i32
      %scan3A_101 = arith.constant 0 : i32
      %scan3A_102 = arith.constant 128 : i32
      %scan3A_103 = arith.addi %scan3A_101, %scan3A_102 : i32
      %scan3A_104 = arith.constant 1 : i32
      %scan3A_105 = scf.for %scan3A_154 = %scan3A_101 to %scan3A_103 step %scan3A_104 iter_args(%scan3A_155 = %scan3A_100) -> (i32)  : i32 {
        %mul3A_156 = arith.constant 16 : i32
        %mul3A_157 = arith.muli %scan3A_154, %mul3A_156 : i32
        %add3A_158 = arith.constant 0 : i32
        %add3A_159 = arith.addi %add3A_158, %mul3A_157 : i32
        %get3A = arith.index_cast %add3A_159 : i32 to index
        %get3A_160 = tpu.vector_load %arg9[%get3A] {strides = array<i32>} : memref<5120xi32, #tpu.memory_space<vmem>>, vector<16xi32>,
        %broadcast_in_dim3A_161 = arith.constant true
        %broadcast_in_dim3A_162 = vector.broadcast %broadcast_in_dim3A_161 : i1 to vector<16xi1>
        %masked_cumsum3A = tpu.scan <sum>, %get3A_160 masked %broadcast_in_dim3A_162 : vector<16xi32>, vector<16xi1> -> vector<16xi32>
        %sub3A = arith.subi %masked_cumsum3A, %get3A_160 : vector<16xi32>
        %add3A_163 = vector.broadcast %scan3A_155 : i32 to vector<16xi32>
        %add3A_164 = arith.addi %sub3A, %add3A_163 : vector<16xi32>
        %mul3A_165 = arith.constant 16 : i32
        %mul3A_166 = arith.muli %scan3A_154, %mul3A_165 : i32
        %add3A_167 = arith.constant 0 : i32
        %add3A_168 = arith.addi %add3A_167, %mul3A_166 : i32
        %swap3A_169 = arith.index_cast %add3A_168 : i32 to index
        %swap3A_170 = tpu.vector_load %arg9[%swap3A_169] {strides = array<i32>} : memref<5120xi32, #tpu.memory_space<vmem>>, vector<16xi32>,
        tpu.vector_store %arg9[%swap3A_169], %add3A_164 {strides = array<i32>} : memref<5120xi32, #tpu.memory_space<vmem>>, vector<16xi32>,
        %reduce_sum3A = arith.constant true
        %reduce_sum3A_171 = vector.broadcast %reduce_sum3A : i1 to vector<16xi1>
        %reduce_sum3A_172 = tpu.scan <sum>, %get3A_160 masked %reduce_sum3A_171 : vector<16xi32>, vector<16xi1> -> vector<16xi32>
        %reduce_sum3A_173 = vector.extract %reduce_sum3A_172[15] : i32 from vector<16xi32>
        %add3A_174 = arith.addi %scan3A_155, %reduce_sum3A_173 : i32
        scf.yield %add3A_174 : i32
      }
      %scan3A_106 = arith.constant 128 : i32
      %scan3A_107 = arith.constant 0 : i32
      %scan3A_108 = arith.constant 0 : i32
      %scan3A_109 = arith.constant 128 : i32
      %scan3A_110 = arith.addi %scan3A_108, %scan3A_109 : i32
      %scan3A_111 = arith.constant 1 : i32
      %scan3A_112 = scf.for %scan3A_154 = %scan3A_108 to %scan3A_110 step %scan3A_111 iter_args(%scan3A_155 = %scan3A_107) -> (i32)  : i32 {
        %mul3A_156 = arith.constant 16 : i32
        %mul3A_157 = arith.muli %scan3A_154, %mul3A_156 : i32
        %add3A_158 = arith.constant 2048 : i32
        %add3A_159 = arith.addi %add3A_158, %mul3A_157 : i32
        %get3A = arith.index_cast %add3A_159 : i32 to index
        %get3A_160 = tpu.vector_load %arg9[%get3A] {strides = array<i32>} : memref<5120xi32, #tpu.memory_space<vmem>>, vector<16xi32>,
        %broadcast_in_dim3A_161 = arith.constant true
        %broadcast_in_dim3A_162 = vector.broadcast %broadcast_in_dim3A_161 : i1 to vector<16xi1>
        %masked_cumsum3A = tpu.scan <sum>, %get3A_160 masked %broadcast_in_dim3A_162 : vector<16xi32>, vector<16xi1> -> vector<16xi32>
        %sub3A = arith.subi %masked_cumsum3A, %get3A_160 : vector<16xi32>
        %add3A_163 = vector.broadcast %scan3A_155 : i32 to vector<16xi32>
        %add3A_164 = arith.addi %sub3A, %add3A_163 : vector<16xi32>
        %mul3A_165 = arith.constant 16 : i32
        %mul3A_166 = arith.muli %scan3A_154, %mul3A_165 : i32
        %add3A_167 = arith.constant 2048 : i32
        %add3A_168 = arith.addi %add3A_167, %mul3A_166 : i32
        %swap3A_169 = arith.index_cast %add3A_168 : i32 to index
        %swap3A_170 = tpu.vector_load %arg9[%swap3A_169] {strides = array<i32>} : memref<5120xi32, #tpu.memory_space<vmem>>, vector<16xi32>,
        tpu.vector_store %arg9[%swap3A_169], %add3A_164 {strides = array<i32>} : memref<5120xi32, #tpu.memory_space<vmem>>, vector<16xi32>,
        %reduce_sum3A = arith.constant true
        %reduce_sum3A_171 = vector.broadcast %reduce_sum3A : i1 to vector<16xi1>
        %reduce_sum3A_172 = tpu.scan <sum>, %get3A_160 masked %reduce_sum3A_171 : vector<16xi32>, vector<16xi1> -> vector<16xi32>
        %reduce_sum3A_173 = vector.extract %reduce_sum3A_172[15] : i32 from vector<16xi32>
        %add3A_174 = arith.addi %scan3A_155, %reduce_sum3A_173 : i32
        scf.yield %add3A_174 : i32
      }
      %scan3A_113 = arith.constant 128 : i32
      %scan3A_114 = arith.constant 0 : i32
      %scan3A_115 = arith.constant 0 : i32
      %scan3A_116 = arith.constant 64 : i32
      %scan3A_117 = arith.addi %scan3A_115, %scan3A_116 : i32
      %scan3A_118 = arith.constant 1 : i32
      %scan3A_119 = scf.for %scan3A_154 = %scan3A_115 to %scan3A_117 step %scan3A_118 iter_args(%scan3A_155 = %scan3A_114) -> (i32)  : i32 {
        %mul3A_156 = arith.constant 16 : i32
        %mul3A_157 = arith.muli %scan3A_154, %mul3A_156 : i32
        %add3A_158 = arith.constant 4096 : i32
        %add3A_159 = arith.addi %add3A_158, %mul3A_157 : i32
        %get3A = arith.index_cast %add3A_159 : i32 to index
        %get3A_160 = tpu.vector_load %arg9[%get3A] {strides = array<i32>} : memref<5120xi32, #tpu.memory_space<vmem>>, vector<16xi32>,
        %broadcast_in_dim3A_161 = arith.constant true
        %broadcast_in_dim3A_162 = vector.broadcast %broadcast_in_dim3A_161 : i1 to vector<16xi1>
        %masked_cumsum3A = tpu.scan <sum>, %get3A_160 masked %broadcast_in_dim3A_162 : vector<16xi32>, vector<16xi1> -> vector<16xi32>
        %sub3A = arith.subi %masked_cumsum3A, %get3A_160 : vector<16xi32>
        %add3A_163 = vector.broadcast %scan3A_155 : i32 to vector<16xi32>
        %add3A_164 = arith.addi %sub3A, %add3A_163 : vector<16xi32>
        %mul3A_165 = arith.constant 16 : i32
        %mul3A_166 = arith.muli %scan3A_154, %mul3A_165 : i32
        %add3A_167 = arith.constant 4096 : i32
        %add3A_168 = arith.addi %add3A_167, %mul3A_166 : i32
        %swap3A_169 = arith.index_cast %add3A_168 : i32 to index
        %swap3A_170 = tpu.vector_load %arg9[%swap3A_169] {strides = array<i32>} : memref<5120xi32, #tpu.memory_space<vmem>>, vector<16xi32>,
        tpu.vector_store %arg9[%swap3A_169], %add3A_164 {strides = array<i32>} : memref<5120xi32, #tpu.memory_space<vmem>>, vector<16xi32>,
        %reduce_sum3A = arith.constant true
        %reduce_sum3A_171 = vector.broadcast %reduce_sum3A : i1 to vector<16xi1>
        %reduce_sum3A_172 = tpu.scan <sum>, %get3A_160 masked %reduce_sum3A_171 : vector<16xi32>, vector<16xi1> -> vector<16xi32>
        %reduce_sum3A_173 = vector.extract %reduce_sum3A_172[15] : i32 from vector<16xi32>
        %add3A_174 = arith.addi %scan3A_155, %reduce_sum3A_173 : i32
        scf.yield %add3A_174 : i32
      }
      %scan3A_120 = arith.constant 64 : i32
      %iota3A_121 = tpu.iota {dimensions = array<i32: 0>} : vector<16xi32>
      %broadcast_in_dim3A_122 = arith.constant 1 : i32
      %broadcast_in_dim3A_123 = vector.broadcast %broadcast_in_dim3A_122 : i32 to vector<16xi32>
      %broadcast_in_dim3A_124 = arith.constant 0.000000e+00 : f32
      %broadcast_in_dim3A_125 = vector.broadcast %broadcast_in_dim3A_124 : f32 to vector<16xf32>
      %scan3A_126 = arith.constant 0 : i32
      %scan3A_127 = arith.constant 0 : i32
      %scan3A_128 = arith.constant 1024 : i32
      %scan3A_129 = arith.addi %scan3A_127, %scan3A_128 : i32
      %scan3A_130 = arith.constant 1 : i32
      scf.for %scan3A_154 = %scan3A_127 to %scan3A_129 step %scan3A_130  : i32 {
        %mul3A_155 = arith.constant 16 : i32
        %mul3A_156 = arith.muli %scan3A_154, %mul3A_155 : i32
        %get3A = arith.index_cast %mul3A_156 : i32 to index
        %get3A_157 = tpu.vector_load %arg5[%get3A] {strides = array<i32>} : memref<16384xi32, #tpu.memory_space<vmem>>, vector<16xi32>,
        %shift_right_arithmetic3A = arith.constant 31 : i32
        %shift_right_arithmetic3A_158 = vector.broadcast %shift_right_arithmetic3A : i32 to vector<16xi32>
        %shift_right_arithmetic3A_159 = arith.shrsi %get3A_157, %shift_right_arithmetic3A_158 : vector<16xi32>
        %or3A = arith.constant -2147483648 : i32
        %or3A_160 = vector.broadcast %or3A : i32 to vector<16xi32>
        %or3A_161 = arith.ori %shift_right_arithmetic3A_159, %or3A_160 : vector<16xi32>
        %xor3A = arith.xori %get3A_157, %or3A_161 : vector<16xi32>
        %mul3A_162 = arith.constant 16 : i32
        %mul3A_163 = arith.muli %scan3A_154, %mul3A_162 : i32
        %add3A_164 = vector.broadcast %mul3A_163 : i32 to vector<16xi32>
        %add3A_165 = arith.addi %add3A_164, %iota3A_121 : vector<16xi32>
        %and3A = arith.constant 2047 : i32
        %and3A_166 = vector.broadcast %and3A : i32 to vector<16xi32>
        %and3A_167 = arith.andi %xor3A, %and3A_166 : vector<16xi32>
        %add3A_168 = vector.broadcast %scan3A_126 : i32 to vector<16xi32>
        %add3A_169 = arith.addi %and3A_167, %add3A_168 : vector<16xi32>
        %gather3A = tpu.vector_load_idx %arg9[%add3A_169] : memref<5120xi32, #tpu.memory_space<vmem>>[vector<16xi32>], vector<16xi32>,
        tpu.vector_store_idx %arg9[%add3A_169], %broadcast_in_dim3A_123 {add = true} : memref<5120xi32, #tpu.memory_space<vmem>>[vector<16xi32>], vector<16xi32>,
        %broadcast_in_dim3A_170 = arith.constant true
        %broadcast_in_dim3A_171 = vector.broadcast %broadcast_in_dim3A_170 : i1 to vector<16xi1>
        %unique3A, %unique3A_172 = tpu.scan_count mask(%broadcast_in_dim3A_171 : vector<16xi1>) value(%add3A_169 : vector<16xi32>) : vector<16xi1>, vector<16xi32>
        %add3A_173 = arith.addi %gather3A, %unique3A_172 : vector<16xi32>
        %sub3A = arith.constant 1 : i32
        %sub3A_174 = vector.broadcast %sub3A : i32 to vector<16xi32>
        %sub3A_175 = arith.subi %add3A_173, %sub3A_174 : vector<16xi32>
        tpu.vector_store_idx %arg6[%sub3A_175], %xor3A : memref<16384xi32, #tpu.memory_space<vmem>>[vector<16xi32>], vector<16xi32>,
        tpu.vector_store_idx %arg7[%sub3A_175], %add3A_165 : memref<16384xi32, #tpu.memory_space<vmem>>[vector<16xi32>], vector<16xi32>,
      }
      %scan3A_131 = arith.constant 1024 : i32
      %broadcast_in_dim3A_132 = arith.constant 1 : i32
      %broadcast_in_dim3A_133 = vector.broadcast %broadcast_in_dim3A_132 : i32 to vector<16xi32>
      %broadcast_in_dim3A_134 = arith.constant 0.000000e+00 : f32
      %broadcast_in_dim3A_135 = vector.broadcast %broadcast_in_dim3A_134 : f32 to vector<16xf32>
      %scan3A_136 = arith.constant 2048 : i32
      %scan3A_137 = arith.constant 0 : i32
      %scan3A_138 = arith.constant 1024 : i32
      %scan3A_139 = arith.addi %scan3A_137, %scan3A_138 : i32
      %scan3A_140 = arith.constant 1 : i32
      scf.for %scan3A_154 = %scan3A_137 to %scan3A_139 step %scan3A_140  : i32 {
        %mul3A_155 = arith.constant 16 : i32
        %mul3A_156 = arith.muli %scan3A_154, %mul3A_155 : i32
        %get3A = arith.index_cast %mul3A_156 : i32 to index
        %get3A_157 = tpu.vector_load %arg6[%get3A] {strides = array<i32>} : memref<16384xi32, #tpu.memory_space<vmem>>, vector<16xi32>,
        %mul3A_158 = arith.constant 16 : i32
        %mul3A_159 = arith.muli %scan3A_154, %mul3A_158 : i32
        %get3A_160 = arith.index_cast %mul3A_159 : i32 to index
        %get3A_161 = tpu.vector_load %arg7[%get3A_160] {strides = array<i32>} : memref<16384xi32, #tpu.memory_space<vmem>>, vector<16xi32>,
        %shift_right_logical3A = arith.constant 11 : i32
        %shift_right_logical3A_162 = vector.broadcast %shift_right_logical3A : i32 to vector<16xi32>
        %shift_right_logical3A_163 = arith.shrui %get3A_157, %shift_right_logical3A_162 : vector<16xi32>
        %and3A = arith.constant 2047 : i32
        %and3A_164 = vector.broadcast %and3A : i32 to vector<16xi32>
        %and3A_165 = arith.andi %shift_right_logical3A_163, %and3A_164 : vector<16xi32>
        %add3A_166 = vector.broadcast %scan3A_136 : i32 to vector<16xi32>
        %add3A_167 = arith.addi %and3A_165, %add3A_166 : vector<16xi32>
        %gather3A = tpu.vector_load_idx %arg9[%add3A_167] : memref<5120xi32, #tpu.memory_space<vmem>>[vector<16xi32>], vector<16xi32>,
        tpu.vector_store_idx %arg9[%add3A_167], %broadcast_in_dim3A_133 {add = true} : memref<5120xi32, #tpu.memory_space<vmem>>[vector<16xi32>], vector<16xi32>,
        %broadcast_in_dim3A_168 = arith.constant true
        %broadcast_in_dim3A_169 = vector.broadcast %broadcast_in_dim3A_168 : i1 to vector<16xi1>
        %unique3A, %unique3A_170 = tpu.scan_count mask(%broadcast_in_dim3A_169 : vector<16xi1>) value(%add3A_167 : vector<16xi32>) : vector<16xi1>, vector<16xi32>
        %add3A_171 = arith.addi %gather3A, %unique3A_170 : vector<16xi32>
        %sub3A = arith.constant 1 : i32
        %sub3A_172 = vector.broadcast %sub3A : i32 to vector<16xi32>
        %sub3A_173 = arith.subi %add3A_171, %sub3A_172 : vector<16xi32>
        %shift_right_logical3A_174 = arith.constant 22 : i32
        %shift_right_logical3A_175 = vector.broadcast %shift_right_logical3A_174 : i32 to vector<16xi32>
        %shift_right_logical3A_176 = arith.shrui %get3A_157, %shift_right_logical3A_175 : vector<16xi32>
        %shift_left3A = arith.constant 14 : i32
        %shift_left3A_177 = vector.broadcast %shift_left3A : i32 to vector<16xi32>
        %shift_left3A_178 = arith.shli %shift_right_logical3A_176, %shift_left3A_177 : vector<16xi32>
        %or3A = arith.ori %shift_left3A_178, %get3A_161 : vector<16xi32>
        tpu.vector_store_idx %arg5[%sub3A_173], %or3A : memref<16384xi32, #tpu.memory_space<vmem>>[vector<16xi32>], vector<16xi32>,
      }
      %scan3A_141 = arith.constant 1024 : i32
      %broadcast_in_dim3A_142 = arith.constant 1 : i32
      %broadcast_in_dim3A_143 = vector.broadcast %broadcast_in_dim3A_142 : i32 to vector<16xi32>
      %broadcast_in_dim3A_144 = arith.constant 0.000000e+00 : f32
      %broadcast_in_dim3A_145 = vector.broadcast %broadcast_in_dim3A_144 : f32 to vector<16xf32>
      %scan3A_146 = arith.constant 4096 : i32
      %scan3A_147 = arith.constant 0 : i32
      %scan3A_148 = arith.constant 1024 : i32
      %scan3A_149 = arith.addi %scan3A_147, %scan3A_148 : i32
      %scan3A_150 = arith.constant 1 : i32
      %scan3A_151 = scf.for %scan3A_154 = %scan3A_147 to %scan3A_149 step %scan3A_150 iter_args(%scan3A_155 = %broadcast_in_dim3A_145) -> (vector<16xf32>)  : i32 {
        %mul3A_156 = arith.constant 16 : i32
        %mul3A_157 = arith.muli %scan3A_154, %mul3A_156 : i32
        %get3A = arith.index_cast %mul3A_157 : i32 to index
        %get3A_158 = tpu.vector_load %arg5[%get3A] {strides = array<i32>} : memref<16384xi32, #tpu.memory_space<vmem>>, vector<16xi32>,
        %and3A = arith.constant 16383 : i32
        %and3A_159 = vector.broadcast %and3A : i32 to vector<16xi32>
        %and3A_160 = arith.andi %get3A_158, %and3A_159 : vector<16xi32>
        %shift_right_logical3A = arith.constant 14 : i32
        %shift_right_logical3A_161 = vector.broadcast %shift_right_logical3A : i32 to vector<16xi32>
        %shift_right_logical3A_162 = arith.shrui %get3A_158, %shift_right_logical3A_161 : vector<16xi32>
        %add3A_163 = vector.broadcast %scan3A_146 : i32 to vector<16xi32>
        %add3A_164 = arith.addi %shift_right_logical3A_162, %add3A_163 : vector<16xi32>
        %gather3A = tpu.vector_load_idx %arg9[%add3A_164] : memref<5120xi32, #tpu.memory_space<vmem>>[vector<16xi32>], vector<16xi32>,
        tpu.vector_store_idx %arg9[%add3A_164], %broadcast_in_dim3A_143 {add = true} : memref<5120xi32, #tpu.memory_space<vmem>>[vector<16xi32>], vector<16xi32>,
        %broadcast_in_dim3A_165 = arith.constant true
        %broadcast_in_dim3A_166 = vector.broadcast %broadcast_in_dim3A_165 : i1 to vector<16xi1>
        %unique3A, %unique3A_167 = tpu.scan_count mask(%broadcast_in_dim3A_166 : vector<16xi1>) value(%add3A_164 : vector<16xi32>) : vector<16xi1>, vector<16xi32>
        %add3A_168 = arith.addi %gather3A, %unique3A_167 : vector<16xi32>
        %sub3A = arith.constant 1 : i32
        %sub3A_169 = vector.broadcast %sub3A : i32 to vector<16xi32>
        %sub3A_170 = arith.subi %add3A_168, %sub3A_169 : vector<16xi32>
        %convert_element_type3A = arith.sitofp %sub3A_170 : vector<16xi32> to vector<16xf32>
        %sub3A_171 = arith.constant 8.191500e+03 : f32
        %sub3A_172 = vector.broadcast %sub3A_171 : f32 to vector<16xf32>
        %sub3A_173 = arith.subf %convert_element_type3A, %sub3A_172 : vector<16xf32>
        %gather3A_174 = tpu.vector_load_idx %arg8[%and3A_160] : memref<16384xf32, #tpu.memory_space<vmem>>[vector<16xi32>], vector<16xf32>,
        %mul3A_175 = arith.mulf %sub3A_173, %gather3A_174 : vector<16xf32>
        %add3A_176 = arith.addf %scan3A_155, %mul3A_175 : vector<16xf32>
        scf.yield %add3A_176 : vector<16xf32>
      }
      %scan3A_152 = arith.constant 1024 : i32
      %add3A_153 = arith.addf %scan3A_9, %scan3A_151 : vector<16xf32>
      scf.yield %add3A_153 : vector<16xf32>
    }
    %scan3A_6 = arith.constant 4 : i32
    %swap3A = arith.constant 0 : index
    %swap3A_7 = tpu.vector_load %arg10[%swap3A] {strides = array<i32>} : memref<16xf32, #tpu.memory_space<vmem>>, vector<16xf32>,
    tpu.vector_store %arg10[%swap3A], %scan3A_5 {strides = array<i32>} : memref<16xf32, #tpu.memory_space<vmem>>, vector<16xf32>,
    "tpu.region"() ({
      %run_scoped3A = tpu.sem_alloc : memref<!tpu.dma_semaphore, #tpu.memory_space<semaphore_mem>>
      %dma_start3A = arith.constant 0 : i32
      %dma_start3A_8 = tpu.memref_slice %arg4[%add3A, %dma_start3A] : memref<32x16xf32, #tpu.memory_space<hbm>> -> memref<1x16xf32, #tpu.memory_space<hbm>>
      %dma_start3A_9 = tpu.memref_squeeze %dma_start3A_8 : memref<1x16xf32, #tpu.memory_space<hbm>> -> memref<16xf32, #tpu.memory_space<hbm>>
      %dma_start3A_10 = arith.constant 0 : i32
      %dma_start3A_11 = tpu.memref_slice %arg4[%add3A, %dma_start3A_10] : memref<32x16xf32, #tpu.memory_space<hbm>> -> memref<1x16xf32, #tpu.memory_space<hbm>>
      %dma_start3A_12 = tpu.memref_squeeze %dma_start3A_11 : memref<1x16xf32, #tpu.memory_space<hbm>> -> memref<16xf32, #tpu.memory_space<hbm>>
      tpu.enqueue_dma source(%arg10 : memref<16xf32, #tpu.memory_space<vmem>>) target(%dma_start3A_12 : memref<16xf32, #tpu.memory_space<hbm>>) target_semaphore(%run_scoped3A : memref<!tpu.dma_semaphore, #tpu.memory_space<semaphore_mem>>)
      %dma_wait3A = arith.constant 0 : i32
      %dma_wait3A_13 = tpu.memref_slice %arg4[%add3A, %dma_wait3A] : memref<32x16xf32, #tpu.memory_space<hbm>> -> memref<1x16xf32, #tpu.memory_space<hbm>>
      %dma_wait3A_14 = tpu.memref_squeeze %dma_wait3A_13 : memref<1x16xf32, #tpu.memory_space<hbm>> -> memref<16xf32, #tpu.memory_space<hbm>>
      %dma_wait3A_15 = arith.constant 0 : i32
      %dma_wait3A_16 = tpu.memref_slice %arg4[%add3A, %dma_wait3A_15] : memref<32x16xf32, #tpu.memory_space<hbm>> -> memref<1x16xf32, #tpu.memory_space<hbm>>
      %dma_wait3A_17 = tpu.memref_squeeze %dma_wait3A_16 : memref<1x16xf32, #tpu.memory_space<hbm>> -> memref<16xf32, #tpu.memory_space<hbm>>
      tpu.wait_dma2 semaphore(%run_scoped3A : memref<!tpu.dma_semaphore, #tpu.memory_space<semaphore_mem>>) src(%arg10 : memref<16xf32, #tpu.memory_space<vmem>>) dst(%dma_wait3A_17 : memref<16xf32, #tpu.memory_space<hbm>>)
      tpu.yield
    }) : () -> ()
    return
  }
}

</mosaic_0001>

<sc_bundles>
// kernel: kernel.3.cloned.1.call-start
scs
__scs_entry_jumppad:
0x0: {  	(pc) =	sbr.rel $0x88, $3  }
0x1: {  	(tag) =	ssettag $0x0;
	lr =	simm.s32 $0x1  }
0x2: {  	[smem:$0x3F9F] =	sst lr;
	_ =	strace $0xD0000000  }
0x3: {  	_ = 	snop  }
0x4: {  	_ = 	snop  }
0x5: {  	_ = 	snop  }
0x6: {  	_ = 	snop  }
0x7: {  	_ = 	snop  }
__scs_overlays_trampoline_lowered:
0x8: {  	[smem:$0x3FAE] =	sst s0  }
0x9: {  	[smem:$0x3FAF] =	sst s1  }
0xa: {  	[smem:$0x3FB0] =	sst s2  }
0xb: {  	[smem:$0x3FB1] =	sst s3  }
0xc: {  	[smem:$0x3FB2] =	sst s4  }
0xd: {  	[smem:$0x3FB3] =	sst s5  }
0xe: {  	[smem:$0x3FB4] =	sst s6  }
0xf: {  	[smem:$0x3FB5] =	sst s7  }
0x10: {  	[smem:$0x3FB6] =	sst s8  }
0x11: {  	[smem:$0x3FB7] =	sst s9;
	s0 =	simm.s32 @!p0 $0x0  }
0x12: {  	s1 =	sld [smem:$0x3F9D];
	s0 =	simm.s32 @p0 $0x1  }
0x13: {  	[smem:$0x3FB8] =	sst s0;
	s0 =	simm.s32 @!p1 $0x0  }
0x14: {  	s2 =	sld [smem:$0x3F9C];
	s0 =	simm.s32 @p1 $0x1  }
0x15: {  	[smem:$0x3FB9] =	sst s0;
	s0 =	simm.s32 @!p2 $0x0  }
0x16: {  	s3 =	sld [smem:$0x3FDB];
	s0 =	simm.s32 @p2 $0x1  }
0x17: {  	s4 =	simm.s32 $0x1BF5;
	[smem:$0x3FBB] =	sst s0  }
0x18: {  	s0 =	sld [smem:$0x3F9E];
	_ =	swait.ge [sflag:s4], $0x0  }
0x19: {  	s7 =	sld [smem:$0x3F9F]  }
0x1a: {  	s8 =	sadd.s32 $0xFFFFE003, lr  }
0x1b: {  	s9 =	sadd.s32 $0xFFFFFEF7, lr;
	s5 =	simm.s32 $0xFFFFFFFF;
	p2 =	slt.u32 s8, $0xFFFFF086  }
0x1c: {  	p1 =	slt.u32 s9, $0xF7A;
	s5 =	simm.s32 @!p2 $0x0  }
0x1d: {  	s5 =	simm.s32 @p1 $0x1;
	p0 =	seq.s32 s7, s2  }
0x1e: {  	s7 =	smul.u32 @!p0 $0xF7A, s2;
	p2 =	seq.s32 @!p0 s5, $0x0  }
0x1f: {  	s9 =	smul.u32 $0xF7A, s1;
	s8 =	simm.s32 @!p0 $0x1BF5;
	p2 =	por !p2, p0  }
0x20: {  	[sflag:s8] =	ssyncset.s32 @!p0 $0xFFFFF086;
	s6 =	sadd.s32 @!p0 s3, s7;
	s7 =	simm.s32 @!p0 $0x108  }
0x21: {  	s3 =	sadd.s32 s3, s9;
	s6 =	sadd.s32 @!p0 $0x88, s6;
	s7 =	simm.s32 @p2 $0x1082  }
0x22: {  	[simem:s7], [sflag:s8] =	dma.local @!p0 [hbm:s6], $0xF7A  }
0x23: {  	s9 =	sor.u32 $0xD0000000, s2;
	s6 =	simm.s32 $0x108;
	_ =	swait.ge @!p0 [sflag:s8], $0x0  }
0x24: {  	s3 =	sadd.s32 $0x88, s3;
	s6 =	simm.s32 @!p1 $0x1082;
	[sflag:s4] =	ssyncset.s32 $0xFFFFF086  }
0x25: {  	[simem:s6], [sflag:s4] =	dma.local [hbm:s3], $0xF7A  }
0x26: {  	[smem:$0x3F9F] =	sst s1;
	(tag) =	ssettag s2;
	_ =	strace s9  }
0x27: {  	s1 =	sld [smem:$0x3FAF]  }
0x28: {  	s2 =	sld [smem:$0x3FB0]  }
0x29: {  	s4 =	sld [smem:$0x3FB2]  }
0x2a: {  	p0 =	seq.s32 s5, $0x0;
	s5 =	sld [smem:$0x3FB3]  }
0x2b: {  	s6 =	sld [smem:$0x3FB4]  }
0x2c: {  	s7 =	sld [smem:$0x3FB5]  }
0x2d: {  	s3 =	simm.s32 $0x108;
	s8 =	sld [smem:$0x3FB6]  }
0x2e: {  	s3 =	simm.s32 @!p0 $0x1082;
	s9 =	sld [smem:$0x3FB7]  }
0x2f: {  	lr =	sadd.s32 s0, s3;
	s0 =	sld [smem:$0x3FAE]  }
0x30: {  	s3 =	sld [smem:$0x3FB1]  }
0x31: {  	[smem:$0x3FBA] =	sst s10  }
0x32: {  	s10 =	sld [smem:$0x3FB8];
	_ =	sdelay $0x3  }
0x33: {  	p0 =	seq.s32 s10, $0x1;
	s10 =	sld [smem:$0x3FBA];
	_ =	sdelay $0x3  }
0x34: {  	[smem:$0x3FBA] =	sst s10  }
0x35: {  	s10 =	sld [smem:$0x3FB9];
	_ =	sdelay $0x3  }
0x36: {  	p1 =	seq.s32 s10, $0x1;
	s10 =	sld [smem:$0x3FBA];
	_ =	sdelay $0x3  }
0x37: {  	[smem:$0x3FBA] =	sst s10  }
0x38: {  	s10 =	sld [smem:$0x3FBB]  }
0x39: {  	_ = 	snop;
	(pc) =	sbr.ind lr, $3  }
0x3a: {  	_ = 	snop  }
0x3b: {  	_ = 	snop  }
0x3c: {  	p2 =	seq.s32 s10, $0x1;
	s10 =	sld [smem:$0x3FBA]  }
0x3d: {  	_ =	shalt  }
0x3e: {  	_ =	shalt  }
0x3f: {  	_ =	shalt  }
0x40: {  	_ =	shalt  }
0x41: {  	_ =	shalt  }
0x42: {  	_ =	shalt  }
0x43: {  	_ =	shalt  }
0x44: {  	_ =	shalt  }
0x45: {  	_ =	shalt  }
0x46: {  	_ =	shalt  }
0x47: {  	_ =	shalt  }
0x48: {  	_ =	shalt  }
0x49: {  	_ =	shalt  }
0x4a: {  	_ =	shalt  }
0x4b: {  	_ =	shalt  }
0x4c: {  	_ =	shalt  }
0x4d: {  	_ =	shalt  }
0x4e: {  	_ =	shalt  }
0x4f: {  	_ =	shalt  }
0x50: {  	_ =	shalt  }
0x51: {  	_ =	shalt  }
0x52: {  	_ =	shalt  }
0x53: {  	_ =	shalt  }
0x54: {  	_ =	shalt  }
0x55: {  	_ =	shalt  }
0x56: {  	_ =	shalt  }
0x57: {  	_ =	shalt  }
0x58: {  	_ =	shalt  }
0x59: {  	_ =	shalt  }
0x5a: {  	_ =	shalt  }
0x5b: {  	_ =	shalt  }
0x5c: {  	_ =	shalt  }
0x5d: {  	_ =	shalt  }
0x5e: {  	_ =	shalt  }
0x5f: {  	_ =	shalt  }
0x60: {  	_ =	shalt  }
0x61: {  	_ =	shalt  }
0x62: {  	_ =	shalt  }
0x63: {  	_ =	shalt  }
0x64: {  	_ =	shalt  }
0x65: {  	_ =	shalt  }
0x66: {  	_ =	shalt  }
0x67: {  	_ =	shalt  }
0x68: {  	_ =	shalt  }
0x69: {  	_ =	shalt  }
0x6a: {  	_ =	shalt  }
0x6b: {  	_ =	shalt  }
0x6c: {  	_ =	shalt  }
0x6d: {  	_ =	shalt  }
0x6e: {  	_ =	shalt  }
0x6f: {  	_ =	shalt  }
0x70: {  	_ =	shalt  }
0x71: {  	_ =	shalt  }
0x72: {  	_ =	shalt  }
0x73: {  	_ =	shalt  }
0x74: {  	_ =	shalt  }
0x75: {  	_ =	shalt  }
0x76: {  	_ =	shalt  }
0x77: {  	_ =	shalt  }
0x78: {  	_ =	shalt  }
0x79: {  	_ =	shalt  }
0x7a: {  	_ =	shalt  }
0x7b: {  	_ =	shalt  }
0x7c: {  	_ =	shalt  }
0x7d: {  	_ =	shalt  }
0x7e: {  	_ =	shalt  }
0x7f: {  	_ =	shalt  }
0x80: {  	_ =	shalt  }
0x81: {  	_ =	shalt  }
0x82: {  	_ =	shalt  }
0x83: {  	_ =	shalt  }
0x84: {  	_ =	shalt  }
0x85: {  	_ =	shalt  }
0x86: {  	_ =	shalt  }
0x87: {  	_ =	shalt  }
.Lfunc_end0:
.L_simem_size_0:
called_computation_lowered:
.L_overlay_start_0:
0x88: {  	s2 =	sld [smem:$0x3FD9]  }
0x89: {  	s3 =	sld [smem:$0x3FFE];
	_ =	sdelay $0x1  }
0x8a: {  	s1 =	srdreg.scid  }
0x8b: {  	s0 =	sand.u32 $0x1, s1  }
0x8c: {  	s16 =	sshll.u32 s0, $0xA;
	s2 =	sadd.s32 s3, s2  }
0x8d: {  	s2 =	sadd.s32 s2, s16  }
0x8e: {  	[smem:$0x3FC6] =	sst s2  }
0x8f: {  	_ = 	snop  }
0x90: {  	(tm) =	ssettm $0x1  }
0x91: {  	s17 =	sld [smem:$0x3FFB];
	_ =	sdelay $0x3  }
0x92: {  	_ =	strace s17  }
0x93: {  	s2 =	sld [smem:$0x3FFC];
	_ =	sdelay $0x3  }
0x94: {  	_ =	strace s2  }
0x95: {  	s2 =	sld [smem:$0x3FFD];
	_ =	sdelay $0x3  }
0x96: {  	_ =	strace s2  }
0x97: {  	_ =	strace $0x8FFFFFFF  }
0x98: {  	s18 =	sld [smem:$0x3FDB];
	_ =	sdelay $0x1  }
0x99: {  	s19 =	simm.s32 $_scs_section_size  }
0x9a: {  	s4 =	simm.s32 $_size__tile_overlayer_lowered;
	s5 =	simm.s32 $_tile_overlayer_lowered  }
0x9b: {  	s22 =	simm.s32 $0x1BFF;
	s21 =	sshll.u32 s5, $0x1;
	s2 =	sadd.s32 s19, s18  }
0x9c: {  	s6 =	simm.s32 $0x0;
	s20 =	sshll.u32 s4, $0x1;
	s4 =	sadd.s32 s21, s2  }
0x9d: {  	[timem:s6], [sflag:s22] =	dma.local [hbm:s4], s20  }
0x9e: {  	_ =	swait.ge [sflag:s22], s20  }
0x9f: {  	s3 =	ssub.s32 $0x0, s20;
	[sflag:s22] =	ssyncset.done $0x0  }
0xa0: {  	[sflag:s22] =	ssyncadd.s32 s3;
	_ =	sdelay $0x1  }
0xa1: {  	s23 =	simm.s32 $0x1B8B  }
0xa2: {  	_ =	swait.ge [sflag:s23], $0x1  }
0xa3: {  	[sflag:s23] =	ssyncset.done $0x0  }
0xa4: {  	s25 =	simm.s32 $0x1B8E;
	s24 =	sld [smem:$0x3FFE];
	[sflag:s23] =	ssyncadd.s32 $0xFFFFFFFF  }
0xa5: {  	s26 =	simm.s32 $execute0_lowered;
	[smem:$0x3FD2] =	sst s25  }
0xa6: {  	s4 =	sshll.u32 s26, $0x1;
	_ =	strace $0x80000046;
	[dreg:$0x1] =	wrdreg $0xFFFFFFFF  }
0xa7: {  	s28 =	simm.s32 $_size_execute0_lowered;
	s2 =	sadd.s32 s2, s4;
	[dreg:$0x0] =	wrdreg $0x0  }
0xa8: {  	s4 =	sshll.u32 s28, $0x1;
	[dreg:$0x2] =	wrdreg s2  }
0xa9: {  	[dreg:$0x3] =	wrdreg s4  }
0xaa: {  	[dreg:$0x4] =	wrdreg $0xC0  }
0xab: {  	_ =	task [dreg:s6], $0x5FFFF  }
0xac: {  	[dreg:$0x1] =	wrdreg $0xFFFFFFFF  }
0xad: {  	[dreg:$0x0] =	wrdreg $0x60  }
0xae: {  	[dreg:$0x2] =	wrdreg s24  }
0xaf: {  	[dreg:$0x3] =	wrdreg $0x9  }
0xb0: {  	_ =	task.clear_ibuf [dreg:s6], $0x4FFFF;
	_ =	strace $0x90000046  }
0xb1: {  	s29 =	simm.s32 $0x9;
	_ =	strace $0x80000048  }
0xb2: {  	_ =	swait.ge [sflag:s29], $0x1  }
0xb3: {  	[sflag:s29] =	ssyncadd.s32 $0xFFFFFFFF  }
0xb4: {  	_ =	strace $0x90000048  }
0xb5: {  	_ =	sfence  }
0xb6: {  	s30 =	sld [smem:$0x0];
	_ =	sdelay $0x2  }
0xb7: {  	s31 =	sshll.u32 s1, $0xD;
	s1 =	sshrl.u32 s1, $0x2  }
0xb8: {  	s3 =	sand.u32 $0x4000, s31;
	s1 =	sadd.s32 s1, s30  }
0xb9: {  	s0 =	sor.u32 s3, s0;
	s1 =	sshll.u32 s1, $0x11  }
0xba: {  	s0 =	sor.u32 s1, s0  }
0xbb: {  	s0 =	sadd.s32 $0x8F2B, s0  }
0xbc: {  	[sflag:s0] =	ssyncadd.remote.s32 $0x1  }
0xbd: {  	_ =	sfence.sel $0xFFFF  }
0xbe: {  	[dreg:$0x0] =	wrdreg $0xFFFFFFFF;
	(pc) =	sbr.abs _section_cstart, $3  }
0xbf: {  	[dreg:$0x1] =	wrdreg $0xFFFFFFFF  }
0xc0: {  	_ =	task.clear_ibuf [dreg:s6], $0x2FFFF;
	_ =	strace $0x9FFFFFFF  }
0xc1: {  	(tm) =	ssettm $0x7FFFFFFF  }
tec
execute0_lowered:
.L_overlay_start_1:
0x0: {  	(tag) =	ssettag $0x1  }
0x1: {  	s5 =	rddreg [dreg:$0x0]  }
0x2: {  	s0 =	rddreg [dreg:$0x1];
	s1 =	simm.s32 $0x0;
	s2 =	srdreg.scid  }
0x3: {  	s10 =	simm.s32 $0x1;
	s11 =	simm.s32 $0x10000;
	s12 =	simm.s32 $0x4000  }
0x4: {  	s13 =	simm.s32 $0x8000;
	s14 =	simm.s32 $0xC000;
	s15 =	simm.s32 $0x11400  }
0x5: {  	s16 =	simm.s32 $0x0;
	[smem:$0x7FF] =	sst s1;
	s6 =	sand.u32 $0x1, s2  }
0x6: {  	s3 =	sadd.s32 $0x40400, s5;
	s4 =	sadd.s32 $0x400, s5;
	s2 =	stileid.u32  }
0x7: {  	_ =	strace $0x80000047;
	s7 =	ssub.s32 $0x2, s6;
	s8 =	sshll.u32 s6, $0x4  }
0x8: {  	s30 =	sshll.u32 s2, $0x5;
	s31 =	sshll.u32 s2, $0xE;
	s9 =	sshrl.u32 s7, $0x1  }
0x9: {  	s6 =	sshll.u32 s6, $0x6;
	s5 =	sadd.s32 s8, s5;
	s7 =	ssub.s32 s7, s9  }
0xa: {  	s8 =	sadd.s32 s30, s5;
	s5 =	sor.u32 s31, s6;
	s9 =	simm.s32 $0x400  }
0xb: {  	v0 =	vimm.s32 $0x0;
	v1 =	vimm.s32 $0x1;
	v2 =	vlaneseq.u32;
	s6 =	sadd.s32 $0x80400, s8;
	s7 =	smax.u32 s7, $0x1;
	s8 =	simm.s32 $0x80  }
.LBB2_1:
0xc: {  	v3 =	vimm.f32 $0.0e+00;
	s17 =	simm.s32 $0x0  }
.LBB2_2:
0xd: {  	s18 =	sshll.u32 s17, $0x4  }
0xe: {  	s18 =	sadd.s32 s5, s18  }
0xf: {  	s20 =	simm.s32 $0x0;
	s19 =	sadd.s32 s4, s18  }
0x10: {  	[tilespmem:s20], [sflag:$0x1] =	stream.strided.gather [hbm4b:s19+s8], $0x4000, s9, s8, $0x38;
	[tilespmem:$0x11480] =	vst v63  }
0x11: {  	_ =	swait.ge [sflag:s10], $0x4000  }
0x12: {  	[sflag:s10] =	ssyncset.done $0x0  }
0x13: {  	s20 =	simm.s32 $0x100;
	s19 =	simm.s32 $0x0;
	[sflag:s10] =	ssyncadd.s32 $0xFFFFC000  }
.LBB2_3:
0x14: {  	p0 =	sne.s32 s20, $0x4F00;
	[tilespmem:s19+$0x10030] =	vst v0;
	s21 =	smov.u32 s20;
	s20 =	sadd.s32 $0x100, s20  }
.Ltmp0:
0x15: {  	[tilespmem:s19+$0x10020] =	vst v0;
	(pc) =	sbr.rel @p0 .LBB2_3-.Ltmp0, $3  }
0x16: {  	[tilespmem:s19+$0x10000] =	vst v0  }
0x17: {  	[tilespmem:s19+$0x10010] =	vst v0;
	_ =	sdelay $0x1  }
0x18: {  	s19 =	sshra.s32 s21, $0x2  }
0x19: {  	[tilespmem:s19+$0x10030] =	vst v0  }
0x1a: {  	[tilespmem:s19+$0x10020] =	vst v0  }
0x1b: {  	[tilespmem:s19+$0x10000] =	vst v0  }
0x1c: {  	[tilespmem:s19+$0x10010] =	vst v0;
	s31 =	simm.s32 $0x0  }
0x1d: {  	s19 =	simm.s32 $0x40;
	v4 =	vld [tilespmem:s31+$0x0]  }
.LBB2_5:
0x1e: {  	p0 =	sne.s32 s19, $0xFFC0;
	_ =	sdelay $0x3  }
0x1f: {  	v5 =	vshra.s32 v4, $0x1F  }
0x20: {  	v5 =	vor.u32 $0x80000000, v5  }
0x21: {  	v4 =	vxor.u32 v4, v5  }
0x22: {  	v5 =	vshrl.u32 v4, $0xB  }
0x23: {  	v6 =	vand.u32 $0x7FF, v4;
	v5 =	vand.u32 $0x7FF, v5  }
0x24: {  	v4 =	vshrl.u32 v4, $0x16;
	v5 =	vor.u32 $0x800, v5  }
0x25: {  	v4 =	vor.u32 $0x1000, v4;
	_ =	sdelay $0x1  }
.Ltmp1:
0x26: {  	(pc) =	sbr.rel @p0 .LBB2_5-.Ltmp1, $4  }
0x27: {  	[tilespmem:v6+s11+$0x0] =	vst.idx.add.s32.msk $0xffff, v1  }
0x28: {  	[tilespmem:v5+s11+$0x0] =	vst.idx.add.s32.msk $0xffff, v1  }
0x29: {  	s20 =	sshra.s32 s19, $0x2;
	[tilespmem:v4+s11+$0x0] =	vst.idx.add.s32.msk $0xffff, v1  }
0x2a: {  	s19 =	sadd.s32 $0x40, s19;
	v4 =	vld [tilespmem:s20+$0x0]  }
0x2b: {  	_ =	sdelay $0x3  }
0x2c: {  	v5 =	vshra.s32 v4, $0x1F  }
0x2d: {  	v5 =	vor.u32 $0x80000000, v5  }
0x2e: {  	v4 =	vxor.u32 v4, v5  }
0x2f: {  	v5 =	vshrl.u32 v4, $0xB  }
0x30: {  	v6 =	vand.u32 $0x7FF, v4;
	v5 =	vand.u32 $0x7FF, v5  }
0x31: {  	v4 =	vshrl.u32 v4, $0x16;
	v5 =	vor.u32 $0x800, v5  }
0x32: {  	v4 =	vor.u32 $0x1000, v4;
	_ =	sdelay $0x2  }
0x33: {  	[tilespmem:v6+s11+$0x0] =	vst.idx.add.s32.msk $0xffff, v1  }
0x34: {  	[tilespmem:v5+s11+$0x0] =	vst.idx.add.s32.msk $0xffff, v1  }
0x35: {  	s21 =	simm.s32 $0x0;
	[tilespmem:v4+s11+$0x0] =	vst.idx.add.s32.msk $0xffff, v1  }
0x36: {  	v4 =	vld [tilespmem:s21+$0x10000];
	_ =	sdelay $0x4  }
0x37: {  	(xrf0) =	vadd.scan.msk.s32 $0xffff, v4;
	_ =	sdelay $0x5  }
0x38: {  	v5, _, _ =	vpop (xrf0)  }
0x39: {  	s19 =	simm.s32 $0x0;
	(v2sf) =	vpush v5, $0xF  }
0x3a: {  	v4 =	vsub.s32 s19, v4  }
0x3b: {  	v4 =	vadd.s32 v5, v4  }
0x3c: {  	s20 =	simm.s32 $0x10;
	s22 =	simm.s32 $0x80;
	[tilespmem:s21+$0x10000] =	vst v4;
	s21 =	simm.s32 $0x0  }
.LBB2_7:
0x3d: {  	p0 =	sne.s32 s22, $0x1FC0;
	v4 =	vld [tilespmem:s20+$0x10000];
	_ =	sdelay $0x4  }
0x3e: {  	(xrf0) =	vadd.scan.msk.s32 $0xffff, v4;
	_ =	sdelay $0x5  }
.Ltmp2:
0x3f: {  	v5, _, _ =	vpop (xrf0);
	s23 =	spop (v2sf);
	(pc) =	sbr.rel @p0 .LBB2_7-.Ltmp2, $4  }
0x40: {  	(v2sf) =	vpush v5, $0xF;
	s21 =	sadd.s32 s21, s23  }
0x41: {  	v4 =	vsub.s32 s21, v4  }
0x42: {  	v4 =	vadd.s32 v5, v4  }
0x43: {  	[tilespmem:s20+$0x10000] =	vst v4;
	s20 =	sshra.s32 s22, $0x2;
	s22 =	sadd.s32 $0x40, s22  }
0x44: {  	_ = 	snop  }
0x45: {  	v4 =	vld [tilespmem:s20+$0x10000];
	_ =	sdelay $0x4  }
0x46: {  	(xrf0) =	vadd.scan.msk.s32 $0xffff, v4;
	_ =	sdelay $0x4  }
0x47: {  	s22 =	spop (v2sf)  }
0x48: {  	v5, _, _ =	vpop (xrf0);
	s21 =	sadd.s32 s21, s22  }
0x49: {  	(v2sf) =	vpush v5, $0xF;
	v4 =	vsub.s32 s21, v4  }
0x4a: {  	v4 =	vadd.s32 v5, v4  }
0x4b: {  	s29 =	sand.u32 $0x7F0, s19;
	[tilespmem:s20+$0x10000] =	vst v4  }
0x4c: {  	v4 =	vld [tilespmem:s29+$0x10800];
	_ =	sdelay $0x4  }
0x4d: {  	(xrf0) =	vadd.scan.msk.s32 $0xffff, v4;
	_ =	sdelay $0x5  }
0x4e: {  	v5, _, _ =	vpop (xrf0)  }
0x4f: {  	s31 =	spop (v2sf);
	(v2sf) =	vpush v5, $0xF  }
0x50: {  	v4 =	vsub.s32 s19, v4  }
0x51: {  	s30 =	simm.s32 $0x10;
	v4 =	vadd.s32 v5, v4  }
0x52: {  	s21 =	simm.s32 $0x20;
	s20 =	sand.u32 $0x7F0, s30;
	[tilespmem:s29+$0x10800] =	vst v4  }
.LBB2_9:
0x53: {  	p0 =	sne.s32 s21, $0x7F0;
	v4 =	vld [tilespmem:s20+$0x10800];
	_ =	sdelay $0x4  }
0x54: {  	(xrf0) =	vadd.scan.msk.s32 $0xffff, v4;
	_ =	sdelay $0x5  }
.Ltmp3:
0x55: {  	v5, _, _ =	vpop (xrf0);
	s22 =	spop (v2sf);
	(pc) =	sbr.rel @p0 .LBB2_9-.Ltmp3, $4  }
0x56: {  	(v2sf) =	vpush v5, $0xF;
	s19 =	sadd.s32 s19, s22  }
0x57: {  	v4 =	vsub.s32 s19, v4  }
0x58: {  	v4 =	vadd.s32 v5, v4  }
0x59: {  	[tilespmem:s20+$0x10800] =	vst v4;
	s20 =	sand.u32 $0x7F0, s21;
	s21 =	sadd.s32 $0x10, s21  }
0x5a: {  	_ = 	snop  }
0x5b: {  	v4 =	vld [tilespmem:s20+$0x10800];
	_ =	sdelay $0x4  }
0x5c: {  	(xrf0) =	vadd.scan.msk.s32 $0xffff, v4;
	_ =	sdelay $0x4  }
0x5d: {  	s21 =	spop (v2sf)  }
0x5e: {  	v5, _, _ =	vpop (xrf0);
	s19 =	sadd.s32 s19, s21  }
0x5f: {  	(v2sf) =	vpush v5, $0xF;
	v4 =	vsub.s32 s19, v4  }
0x60: {  	s19 =	simm.s32 $0x0;
	v4 =	vadd.s32 v5, v4  }
0x61: {  	s22 =	sand.u32 $0x3F0, s19;
	[tilespmem:s20+$0x10800] =	vst v4  }
0x62: {  	v4 =	vld [tilespmem:s22+$0x11000];
	_ =	sdelay $0x4  }
0x63: {  	(xrf0) =	vadd.scan.msk.s32 $0xffff, v4;
	_ =	sdelay $0x5  }
0x64: {  	v5, _, _ =	vpop (xrf0)  }
0x65: {  	s31 =	spop (v2sf);
	(v2sf) =	vpush v5, $0xF  }
0x66: {  	v4 =	vsub.s32 s19, v4  }
0x67: {  	s20 =	simm.s32 $0x10;
	v4 =	vadd.s32 v5, v4  }
0x68: {  	s23 =	simm.s32 $0x20;
	s21 =	sand.u32 $0x3F0, s20;
	[tilespmem:s22+$0x11000] =	vst v4;
	s22 =	simm.s32 $0x0  }
.LBB2_11:
0x69: {  	p0 =	sne.s32 s23, $0x3F0;
	v4 =	vld [tilespmem:s21+$0x11000];
	_ =	sdelay $0x4  }
0x6a: {  	(xrf0) =	vadd.scan.msk.s32 $0xffff, v4;
	_ =	sdelay $0x5  }
.Ltmp4:
0x6b: {  	v5, _, _ =	vpop (xrf0);
	s24 =	spop (v2sf);
	(pc) =	sbr.rel @p0 .LBB2_11-.Ltmp4, $4  }
0x6c: {  	(v2sf) =	vpush v5, $0xF;
	s22 =	sadd.s32 s22, s24  }
0x6d: {  	v4 =	vsub.s32 s22, v4  }
0x6e: {  	v4 =	vadd.s32 v5, v4  }
0x6f: {  	[tilespmem:s21+$0x11000] =	vst v4;
	s21 =	sand.u32 $0x3F0, s23;
	s23 =	sadd.s32 $0x10, s23  }
0x70: {  	v4 =	vld [tilespmem:s21+$0x11000];
	_ =	sdelay $0x4  }
0x71: {  	(xrf0) =	vadd.scan.msk.s32 $0xffff, v4;
	_ =	sdelay $0x5  }
0x72: {  	v5, _, _ =	vpop (xrf0)  }
0x73: {  	(v2sf) =	vpush v5, $0xF;
	_ =	sdelay $0x8  }
0x74: {  	s23 =	spop (v2sf)  }
0x75: {  	s22 =	sadd.s32 s22, s23  }
0x76: {  	v4 =	vsub.s32 s22, v4  }
0x77: {  	v4 =	vadd.s32 v5, v4  }
0x78: {  	[tilespmem:s21+$0x11000] =	vst v4  }
0x79: {  	v4 =	vld [tilespmem:s19+$0x0]  }
0x7a: {  	s21 =	simm.s32 $0x0;
	s31 =	spop (v2sf)  }
.LBB2_13:
0x7b: {  	p0 =	sne.s32 s20, $0x3FF0;
	_ =	sdelay $0x2  }
0x7c: {  	v5 =	vshra.s32 v4, $0x1F  }
0x7d: {  	v5 =	vor.u32 $0x80000000, v5  }
0x7e: {  	v4 =	vxor.u32 v4, v5  }
0x7f: {  	v5 =	vand.u32 $0x7FF, v4  }
0x80: {  	(xrf1) =	vunique.msk.u32 $0xffff, v5;
	_ =	sdelay $0x8  }
0x81: {  	v6 =	vld.idx.msk [tilespmem:v5+s11+$0x0], $0xffff  }
0x82: {  	[tilespmem:v5+s11+$0x0] =	vst.idx.add.s32.msk $0xffff, v1;
	_ =	sdelay $0x3  }
0x83: {  	_, v5, _ =	vpop (xrf1)  }
0x84: {  	v5 =	vadd.s32 v5, v6  }
0x85: {  	v5 =	vadd.s32 $0xFFFFFFFF, v5;
	_ =	sdelay $0x3  }
.Ltmp5:
0x86: {  	(pc) =	sbr.rel @p0 .LBB2_13-.Ltmp5, $4  }
0x87: {  	v6 =	vor.u32 s19, v2;
	s19 =	smov.u32 s20;
	[tilespmem:v5+s12+$0x0] =	vst.idx.msk $0xffff, v4  }
0x88: {  	s21 =	sadd.s32 $0x10, s21;
	[tilespmem:v5+s13+$0x0] =	vst.idx.msk $0xffff, v6  }
0x89: {  	v4 =	vld [tilespmem:s21+$0x0]  }
0x8a: {  	s20 =	sadd.s32 $0x10, s20  }
0x8b: {  	_ =	sdelay $0x2  }
0x8c: {  	v5 =	vshra.s32 v4, $0x1F  }
0x8d: {  	v5 =	vor.u32 $0x80000000, v5  }
0x8e: {  	v4 =	vxor.u32 v4, v5  }
0x8f: {  	v5 =	vand.u32 $0x7FF, v4  }
0x90: {  	(xrf1) =	vunique.msk.u32 $0xffff, v5;
	_ =	sdelay $0x9  }
0x91: {  	v6 =	vld.idx.msk [tilespmem:v5+s11+$0x0], $0xffff;
	_ =	sdelay $0x3  }
0x92: {  	_, v7, _ =	vpop (xrf1)  }
0x93: {  	v6 =	vadd.s32 v7, v6  }
0x94: {  	v6 =	vadd.s32 $0xFFFFFFFF, v6;
	_ =	sdelay $0x3  }
0x95: {  	[tilespmem:v5+s11+$0x0] =	vst.idx.add.s32.msk $0xffff, v1  }
0x96: {  	v5 =	vor.u32 s19, v2;
	[tilespmem:v6+s12+$0x0] =	vst.idx.msk $0xffff, v4  }
0x97: {  	s21 =	simm.s32 $0x0;
	s20 =	simm.s32 $0x40;
	s19 =	simm.s32 $0x0;
	[tilespmem:v6+s13+$0x0] =	vst.idx.msk $0xffff, v5  }
.LBB2_15:
0x98: {  	p0 =	sne.s32 s20, $0xFFC0;
	v4 =	vld [tilespmem:s21+$0x4000];
	_ =	sdelay $0x4  }
0x99: {  	v5 =	vshrl.u32 v4, $0xB  }
0x9a: {  	v6 =	vand.u32 $0x7FF, v5  }
0x9b: {  	v6 =	vor.u32 $0x800, v6  }
0x9c: {  	(xrf1) =	vunique.msk.u32 $0xffff, v6;
	_ =	sdelay $0x2  }
0x9d: {  	v5 =	vand.u32 $0x7F, v5;
	v6 =	vand.u32 $0xF80, v6  }
0x9e: {  	v5 =	vor.u32 v5, v6;
	_ =	sdelay $0x4  }
0x9f: {  	v6 =	vld.idx.msk [tilespmem:v5+s11+$0x0], $0xffff;
	_ =	sdelay $0x4  }
0xa0: {  	_, v7, _ =	vpop (xrf1)  }
0xa1: {  	v8 =	vld [tilespmem:s21+$0x8000];
	v6 =	vadd.s32 v7, v6  }
0xa2: {  	v6 =	vadd.s32 $0xFFFFFFFF, v6  }
.Ltmp6:
0xa3: {  	(pc) =	sbr.rel @p0 .LBB2_15-.Ltmp6, $4  }
0xa4: {  	v4 =	vshrl.u32 v4, $0x8  }
0xa5: {  	v4 =	vand.u32 $0xFFC000, v4  }
0xa6: {  	[tilespmem:v5+s11+$0x0] =	vst.idx.add.s32.msk $0xffff, v1;
	v4 =	vor.u32 v8, v4  }
0xa7: {  	s21 =	sshra.s32 s20, $0x2;
	s20 =	sadd.s32 $0x40, s20;
	[tilespmem:v6+s19+$0x0] =	vst.idx.msk $0xffff, v4  }
0xa8: {  	v4 =	vld [tilespmem:s21+$0x4000];
	_ =	sdelay $0x4  }
0xa9: {  	v5 =	vshrl.u32 v4, $0xB  }
0xaa: {  	v6 =	vand.u32 $0x7FF, v5  }
0xab: {  	v6 =	vor.u32 $0x800, v6  }
0xac: {  	(xrf1) =	vunique.msk.u32 $0xffff, v6;
	_ =	sdelay $0x3  }
0xad: {  	v5 =	vand.u32 $0x7F, v5;
	v6 =	vand.u32 $0xF80, v6  }
0xae: {  	v5 =	vor.u32 v5, v6;
	_ =	sdelay $0x4  }
0xaf: {  	v6 =	vld.idx.msk [tilespmem:v5+s11+$0x0], $0xffff;
	_ =	sdelay $0x3  }
0xb0: {  	_, v7, _ =	vpop (xrf1)  }
0xb1: {  	v8 =	vld [tilespmem:s21+$0x8000];
	v6 =	vadd.s32 v7, v6  }
0xb2: {  	v6 =	vadd.s32 $0xFFFFFFFF, v6;
	_ =	sdelay $0x1  }
0xb3: {  	v4 =	vshrl.u32 v4, $0x8  }
0xb4: {  	v4 =	vand.u32 $0xFFC000, v4  }
0xb5: {  	v4 =	vor.u32 v8, v4;
	[tilespmem:v5+s11+$0x0] =	vst.idx.add.s32.msk $0xffff, v1  }
0xb6: {  	s20 =	simm.s32 $0x0;
	[tilespmem:v6+s19+$0x0] =	vst.idx.msk $0xffff, v4;
	s19 =	simm.s32 $0x40  }
.LBB2_17:
0xb7: {  	p0 =	sne.s32 s19, $0xFFC0;
	v4 =	vld [tilespmem:s20+$0x0];
	_ =	sdelay $0x4  }
0xb8: {  	v5 =	vshrl.u32 v4, $0xE  }
0xb9: {  	v6 =	vadd.s32 $0x1000, v5  }
0xba: {  	(xrf1) =	vunique.msk.u32 $0xffff, v6;
	_ =	sdelay $0x2  }
0xbb: {  	v5 =	vand.u32 $0x7F, v5;
	v6 =	vand.u32 $0x7FF80, v6  }
0xbc: {  	v5 =	vor.u32 v5, v6;
	_ =	sdelay $0x4  }
0xbd: {  	v6 =	vld.idx.msk [tilespmem:v5+s11+$0x0], $0xffff;
	_ =	sdelay $0x4  }
0xbe: {  	_, v7, _ =	vpop (xrf1)  }
0xbf: {  	v6 =	vadd.s32 v7, v6  }
0xc0: {  	v4 =	vand.u32 $0x3FFF, v4;
	v6 =	vadd.s32 $0xFFFFFFFF, v6  }
.Ltmp7:
0xc1: {  	v6 =	vcvt.s32.f32 v6;
	(pc) =	sbr.rel @p0 .LBB2_17-.Ltmp7, $4  }
0xc2: {  	_ = 	snop  }
0xc3: {  	v6 =	vadd.f32 $-8.191500000e+03, v6  }
0xc4: {  	[tilespmem:v5+s11+$0x0] =	vst.idx.add.s32.msk $0xffff, v1  }
0xc5: {  	s20 =	sshra.s32 s19, $0x2;
	s19 =	sadd.s32 $0x40, s19;
	[tilespmem:v4+s14+$0x0] =	vst.idx.msk $0xffff, v6  }
0xc6: {  	v4 =	vld [tilespmem:s20+$0x0];
	_ =	sdelay $0x4  }
0xc7: {  	v5 =	vshrl.u32 v4, $0xE  }
0xc8: {  	v6 =	vadd.s32 $0x1000, v5  }
0xc9: {  	(xrf1) =	vunique.msk.u32 $0xffff, v6;
	_ =	sdelay $0x3  }
0xca: {  	v5 =	vand.u32 $0x7F, v5;
	v6 =	vand.u32 $0x7FF80, v6  }
0xcb: {  	v5 =	vor.u32 v5, v6;
	_ =	sdelay $0x4  }
0xcc: {  	v6 =	vld.idx.msk [tilespmem:v5+s11+$0x0], $0xffff;
	_ =	sdelay $0x3  }
0xcd: {  	_, v7, _ =	vpop (xrf1)  }
0xce: {  	v6 =	vadd.s32 v7, v6  }
0xcf: {  	v4 =	vand.u32 $0x3FFF, v4;
	v6 =	vadd.s32 $0xFFFFFFFF, v6  }
0xd0: {  	v6 =	vcvt.s32.f32 v6;
	_ =	sdelay $0x1  }
0xd1: {  	v6 =	vadd.f32 $-8.191500000e+03, v6  }
0xd2: {  	[tilespmem:v5+s11+$0x0] =	vst.idx.add.s32.msk $0xffff, v1  }
0xd3: {  	s18 =	sadd.s32 s3, s18;
	s19 =	simm.s32 $0x0;
	[tilespmem:v4+s14+$0x0] =	vst.idx.msk $0xffff, v6  }
0xd4: {  	[tilespmem:s19], [sflag:$0x1] =	stream.strided.gather [hbm4b:s18+s8], $0x4000, s9, s8, $0x38;
	[tilespmem:$0x11480] =	vst v63  }
0xd5: {  	_ =	swait.ge [sflag:s10], $0x4000  }
0xd6: {  	[sflag:s10] =	ssyncset.done $0x0  }
0xd7: {  	s19 =	simm.s32 $0x100;
	s18 =	simm.s32 $0x0;
	[sflag:s10] =	ssyncadd.s32 $0xFFFFC000  }
.LBB2_19:
0xd8: {  	p0 =	sne.s32 s19, $0x4F00;
	[tilespmem:s18+$0x10030] =	vst v0;
	s20 =	smov.u32 s19;
	s19 =	sadd.s32 $0x100, s19  }
.Ltmp8:
0xd9: {  	[tilespmem:s18+$0x10020] =	vst v0;
	(pc) =	sbr.rel @p0 .LBB2_19-.Ltmp8, $3  }
0xda: {  	[tilespmem:s18+$0x10000] =	vst v0  }
0xdb: {  	[tilespmem:s18+$0x10010] =	vst v0;
	_ =	sdelay $0x1  }
0xdc: {  	s18 =	sshra.s32 s20, $0x2  }
0xdd: {  	[tilespmem:s18+$0x10030] =	vst v0  }
0xde: {  	[tilespmem:s18+$0x10020] =	vst v0  }
0xdf: {  	[tilespmem:s18+$0x10000] =	vst v0  }
0xe0: {  	[tilespmem:s18+$0x10010] =	vst v0;
	s31 =	simm.s32 $0x0  }
0xe1: {  	s18 =	simm.s32 $0x40;
	v4 =	vld [tilespmem:s31+$0x0]  }
.LBB2_21:
0xe2: {  	p0 =	sne.s32 s18, $0xFFC0;
	_ =	sdelay $0x3  }
0xe3: {  	v5 =	vshra.s32 v4, $0x1F  }
0xe4: {  	v5 =	vor.u32 $0x80000000, v5  }
0xe5: {  	v4 =	vxor.u32 v4, v5  }
0xe6: {  	v5 =	vshrl.u32 v4, $0xB  }
0xe7: {  	v6 =	vand.u32 $0x7FF, v4;
	v5 =	vand.u32 $0x7FF, v5  }
0xe8: {  	v4 =	vshrl.u32 v4, $0x16;
	v5 =	vor.u32 $0x800, v5  }
0xe9: {  	v4 =	vor.u32 $0x1000, v4;
	_ =	sdelay $0x1  }
.Ltmp9:
0xea: {  	(pc) =	sbr.rel @p0 .LBB2_21-.Ltmp9, $4  }
0xeb: {  	[tilespmem:v6+s11+$0x0] =	vst.idx.add.s32.msk $0xffff, v1  }
0xec: {  	[tilespmem:v5+s11+$0x0] =	vst.idx.add.s32.msk $0xffff, v1  }
0xed: {  	s19 =	sshra.s32 s18, $0x2;
	[tilespmem:v4+s11+$0x0] =	vst.idx.add.s32.msk $0xffff, v1  }
0xee: {  	s18 =	sadd.s32 $0x40, s18;
	v4 =	vld [tilespmem:s19+$0x0]  }
0xef: {  	_ =	sdelay $0x3  }
0xf0: {  	v5 =	vshra.s32 v4, $0x1F  }
0xf1: {  	v5 =	vor.u32 $0x80000000, v5  }
0xf2: {  	v4 =	vxor.u32 v4, v5  }
0xf3: {  	v5 =	vshrl.u32 v4, $0xB  }
0xf4: {  	v6 =	vand.u32 $0x7FF, v4;
	v5 =	vand.u32 $0x7FF, v5  }
0xf5: {  	v4 =	vshrl.u32 v4, $0x16;
	v5 =	vor.u32 $0x800, v5  }
0xf6: {  	v4 =	vor.u32 $0x1000, v4;
	_ =	sdelay $0x2  }
0xf7: {  	[tilespmem:v6+s11+$0x0] =	vst.idx.add.s32.msk $0xffff, v1  }
0xf8: {  	[tilespmem:v5+s11+$0x0] =	vst.idx.add.s32.msk $0xffff, v1  }
0xf9: {  	s20 =	simm.s32 $0x0;
	[tilespmem:v4+s11+$0x0] =	vst.idx.add.s32.msk $0xffff, v1  }
0xfa: {  	v4 =	vld [tilespmem:s20+$0x10000];
	_ =	sdelay $0x4  }
0xfb: {  	(xrf0) =	vadd.scan.msk.s32 $0xffff, v4;
	_ =	sdelay $0x5  }
0xfc: {  	v5, _, _ =	vpop (xrf0)  }
0xfd: {  	s18 =	simm.s32 $0x0;
	(v2sf) =	vpush v5, $0xF  }
0xfe: {  	v4 =	vsub.s32 s18, v4  }
0xff: {  	v4 =	vadd.s32 v5, v4  }
0x100: {  	s19 =	simm.s32 $0x10;
	s21 =	simm.s32 $0x80;
	[tilespmem:s20+$0x10000] =	vst v4;
	s20 =	simm.s32 $0x0  }
.LBB2_23:
0x101: {  	p0 =	sne.s32 s21, $0x1FC0;
	v4 =	vld [tilespmem:s19+$0x10000];
	_ =	sdelay $0x4  }
0x102: {  	(xrf0) =	vadd.scan.msk.s32 $0xffff, v4;
	_ =	sdelay $0x5  }
.Ltmp10:
0x103: {  	v5, _, _ =	vpop (xrf0);
	s22 =	spop (v2sf);
	(pc) =	sbr.rel @p0 .LBB2_23-.Ltmp10, $4  }
0x104: {  	(v2sf) =	vpush v5, $0xF;
	s20 =	sadd.s32 s20, s22  }
0x105: {  	v4 =	vsub.s32 s20, v4  }
0x106: {  	v4 =	vadd.s32 v5, v4  }
0x107: {  	[tilespmem:s19+$0x10000] =	vst v4;
	s19 =	sshra.s32 s21, $0x2;
	s21 =	sadd.s32 $0x40, s21  }
0x108: {  	_ = 	snop  }
0x109: {  	v4 =	vld [tilespmem:s19+$0x10000];
	_ =	sdelay $0x4  }
0x10a: {  	(xrf0) =	vadd.scan.msk.s32 $0xffff, v4;
	_ =	sdelay $0x4  }
0x10b: {  	s21 =	spop (v2sf)  }
0x10c: {  	v5, _, _ =	vpop (xrf0);
	s20 =	sadd.s32 s20, s21  }
0x10d: {  	(v2sf) =	vpush v5, $0xF;
	v4 =	vsub.s32 s20, v4  }
0x10e: {  	v4 =	vadd.s32 v5, v4  }
0x10f: {  	s29 =	sand.u32 $0x7F0, s18;
	[tilespmem:s19+$0x10000] =	vst v4  }
0x110: {  	v4 =	vld [tilespmem:s29+$0x10800];
	_ =	sdelay $0x4  }
0x111: {  	(xrf0) =	vadd.scan.msk.s32 $0xffff, v4;
	_ =	sdelay $0x5  }
0x112: {  	v5, _, _ =	vpop (xrf0)  }
0x113: {  	s31 =	spop (v2sf);
	(v2sf) =	vpush v5, $0xF  }
0x114: {  	v4 =	vsub.s32 s18, v4  }
0x115: {  	s30 =	simm.s32 $0x10;
	v4 =	vadd.s32 v5, v4  }
0x116: {  	s20 =	simm.s32 $0x20;
	s19 =	sand.u32 $0x7F0, s30;
	[tilespmem:s29+$0x10800] =	vst v4  }
.LBB2_25:
0x117: {  	p0 =	sne.s32 s20, $0x7F0;
	v4 =	vld [tilespmem:s19+$0x10800];
	_ =	sdelay $0x4  }
0x118: {  	(xrf0) =	vadd.scan.msk.s32 $0xffff, v4;
	_ =	sdelay $0x5  }
.Ltmp11:
0x119: {  	v5, _, _ =	vpop (xrf0);
	s21 =	spop (v2sf);
	(pc) =	sbr.rel @p0 .LBB2_25-.Ltmp11, $4  }
0x11a: {  	(v2sf) =	vpush v5, $0xF;
	s18 =	sadd.s32 s18, s21  }
0x11b: {  	v4 =	vsub.s32 s18, v4  }
0x11c: {  	v4 =	vadd.s32 v5, v4  }
0x11d: {  	[tilespmem:s19+$0x10800] =	vst v4;
	s19 =	sand.u32 $0x7F0, s20;
	s20 =	sadd.s32 $0x10, s20  }
0x11e: {  	_ = 	snop  }
0x11f: {  	v4 =	vld [tilespmem:s19+$0x10800];
	_ =	sdelay $0x4  }
0x120: {  	(xrf0) =	vadd.scan.msk.s32 $0xffff, v4;
	_ =	sdelay $0x4  }
0x121: {  	s20 =	spop (v2sf)  }
0x122: {  	v5, _, _ =	vpop (xrf0);
	s18 =	sadd.s32 s18, s20  }
0x123: {  	(v2sf) =	vpush v5, $0xF;
	v4 =	vsub.s32 s18, v4  }
0x124: {  	s18 =	simm.s32 $0x0;
	v4 =	vadd.s32 v5, v4  }
0x125: {  	s21 =	sand.u32 $0x3F0, s18;
	[tilespmem:s19+$0x10800] =	vst v4  }
0x126: {  	v4 =	vld [tilespmem:s21+$0x11000];
	_ =	sdelay $0x4  }
0x127: {  	(xrf0) =	vadd.scan.msk.s32 $0xffff, v4;
	_ =	sdelay $0x5  }
0x128: {  	v5, _, _ =	vpop (xrf0)  }
0x129: {  	s31 =	spop (v2sf);
	(v2sf) =	vpush v5, $0xF  }
0x12a: {  	v4 =	vsub.s32 s18, v4  }
0x12b: {  	s19 =	simm.s32 $0x10;
	v4 =	vadd.s32 v5, v4  }
0x12c: {  	s22 =	simm.s32 $0x20;
	s20 =	sand.u32 $0x3F0, s19;
	[tilespmem:s21+$0x11000] =	vst v4;
	s21 =	simm.s32 $0x0  }
.LBB2_27:
0x12d: {  	p0 =	sne.s32 s22, $0x3F0;
	v4 =	vld [tilespmem:s20+$0x11000];
	_ =	sdelay $0x4  }
0x12e: {  	(xrf0) =	vadd.scan.msk.s32 $0xffff, v4;
	_ =	sdelay $0x5  }
.Ltmp12:
0x12f: {  	v5, _, _ =	vpop (xrf0);
	s23 =	spop (v2sf);
	(pc) =	sbr.rel @p0 .LBB2_27-.Ltmp12, $4  }
0x130: {  	(v2sf) =	vpush v5, $0xF;
	s21 =	sadd.s32 s21, s23  }
0x131: {  	v4 =	vsub.s32 s21, v4  }
0x132: {  	v4 =	vadd.s32 v5, v4  }
0x133: {  	[tilespmem:s20+$0x11000] =	vst v4;
	s20 =	sand.u32 $0x3F0, s22;
	s22 =	sadd.s32 $0x10, s22  }
0x134: {  	v4 =	vld [tilespmem:s20+$0x11000];
	_ =	sdelay $0x4  }
0x135: {  	(xrf0) =	vadd.scan.msk.s32 $0xffff, v4;
	_ =	sdelay $0x5  }
0x136: {  	v5, _, _ =	vpop (xrf0)  }
0x137: {  	(v2sf) =	vpush v5, $0xF;
	_ =	sdelay $0x8  }
0x138: {  	s22 =	spop (v2sf)  }
0x139: {  	s21 =	sadd.s32 s21, s22  }
0x13a: {  	v4 =	vsub.s32 s21, v4  }
0x13b: {  	v4 =	vadd.s32 v5, v4  }
0x13c: {  	[tilespmem:s20+$0x11000] =	vst v4  }
0x13d: {  	v4 =	vld [tilespmem:s18+$0x0]  }
0x13e: {  	s20 =	simm.s32 $0x0;
	s31 =	spop (v2sf)  }
.LBB2_29:
0x13f: {  	p0 =	sne.s32 s19, $0x3FF0;
	_ =	sdelay $0x2  }
0x140: {  	v5 =	vshra.s32 v4, $0x1F  }
0x141: {  	v5 =	vor.u32 $0x80000000, v5  }
0x142: {  	v4 =	vxor.u32 v4, v5  }
0x143: {  	v5 =	vand.u32 $0x7FF, v4  }
0x144: {  	(xrf1) =	vunique.msk.u32 $0xffff, v5;
	_ =	sdelay $0x8  }
0x145: {  	v6 =	vld.idx.msk [tilespmem:v5+s11+$0x0], $0xffff  }
0x146: {  	[tilespmem:v5+s11+$0x0] =	vst.idx.add.s32.msk $0xffff, v1;
	_ =	sdelay $0x3  }
0x147: {  	_, v5, _ =	vpop (xrf1)  }
0x148: {  	v5 =	vadd.s32 v5, v6  }
0x149: {  	v5 =	vadd.s32 $0xFFFFFFFF, v5;
	_ =	sdelay $0x3  }
.Ltmp13:
0x14a: {  	(pc) =	sbr.rel @p0 .LBB2_29-.Ltmp13, $4  }
0x14b: {  	v6 =	vor.u32 s18, v2;
	s18 =	smov.u32 s19;
	[tilespmem:v5+s12+$0x0] =	vst.idx.msk $0xffff, v4  }
0x14c: {  	s20 =	sadd.s32 $0x10, s20;
	[tilespmem:v5+s13+$0x0] =	vst.idx.msk $0xffff, v6  }
0x14d: {  	v4 =	vld [tilespmem:s20+$0x0]  }
0x14e: {  	s19 =	sadd.s32 $0x10, s19  }
0x14f: {  	_ =	sdelay $0x2  }
0x150: {  	v5 =	vshra.s32 v4, $0x1F  }
0x151: {  	v5 =	vor.u32 $0x80000000, v5  }
0x152: {  	v4 =	vxor.u32 v4, v5  }
0x153: {  	v5 =	vand.u32 $0x7FF, v4  }
0x154: {  	(xrf1) =	vunique.msk.u32 $0xffff, v5;
	_ =	sdelay $0x9  }
0x155: {  	v6 =	vld.idx.msk [tilespmem:v5+s11+$0x0], $0xffff;
	_ =	sdelay $0x3  }
0x156: {  	_, v7, _ =	vpop (xrf1)  }
0x157: {  	v6 =	vadd.s32 v7, v6  }
0x158: {  	v6 =	vadd.s32 $0xFFFFFFFF, v6;
	_ =	sdelay $0x3  }
0x159: {  	[tilespmem:v5+s11+$0x0] =	vst.idx.add.s32.msk $0xffff, v1  }
0x15a: {  	v5 =	vor.u32 s18, v2;
	[tilespmem:v6+s12+$0x0] =	vst.idx.msk $0xffff, v4  }
0x15b: {  	s19 =	simm.s32 $0x0;
	s18 =	simm.s32 $0x0;
	[tilespmem:v6+s13+$0x0] =	vst.idx.msk $0xffff, v5  }
.LBB2_31:
0x15c: {  	s20 =	sshra.s32 s19, $0x2  }
0x15d: {  	v4 =	vld [tilespmem:s20+$0x4000];
	_ =	sdelay $0x4  }
0x15e: {  	v5 =	vshrl.u32 v4, $0xB  }
0x15f: {  	v6 =	vand.u32 $0x7FF, v5  }
0x160: {  	v6 =	vor.u32 $0x800, v6  }
0x161: {  	(xrf1) =	vunique.msk.u32 $0xffff, v6;
	_ =	sdelay $0x3  }
0x162: {  	v5 =	vand.u32 $0x7F, v5;
	v6 =	vand.u32 $0xF80, v6  }
0x163: {  	v5 =	vor.u32 v5, v6;
	_ =	sdelay $0x4  }
0x164: {  	v6 =	vld.idx.msk [tilespmem:v5+s11+$0x0], $0xffff;
	_ =	sdelay $0x3  }
0x165: {  	_, v7, _ =	vpop (xrf1)  }
0x166: {  	v8 =	vld [tilespmem:s20+$0x8000];
	v6 =	vadd.s32 v7, v6  }
0x167: {  	p0 =	sne.s32 s19, $0xFFC0;
	v6 =	vadd.s32 $0xFFFFFFFF, v6  }
.Ltmp14:
0x168: {  	_ = 	snop;
	(pc) =	sbr.rel @p0 .LBB2_31-.Ltmp14, $4  }
0x169: {  	v4 =	vshrl.u32 v4, $0x8  }
0x16a: {  	v4 =	vand.u32 $0xFFC000, v4  }
0x16b: {  	v4 =	vor.u32 v8, v4;
	[tilespmem:v5+s11+$0x0] =	vst.idx.add.s32.msk $0xffff, v1  }
0x16c: {  	s19 =	sadd.s32 $0x40, s19;
	[tilespmem:v6+s18+$0x0] =	vst.idx.msk $0xffff, v4  }
0x16d: {  	s18 =	simm.s32 $0x0  }
0x16e: {  	v4 =	vld [tilespmem:s18+$0x0];
	_ =	sdelay $0x4  }
0x16f: {  	v5 =	vshrl.u32 v4, $0xE  }
0x170: {  	v6 =	vadd.s32 $0x1000, v5  }
0x171: {  	v5 =	vand.u32 $0x7F, v5;
	v7 =	vand.u32 $0x7FF80, v6;
	(xrf1) =	vunique.msk.u32 $0xffff, v6  }
0x172: {  	v5 =	vor.u32 v5, v7;
	_ =	sdelay $0x4  }
0x173: {  	v7 =	vld.idx.msk [tilespmem:v5+s11+$0x0], $0xffff  }
0x174: {  	s31 =	simm.s32 $0x10;
	[tilespmem:v5+s11+$0x0] =	vst.idx.add.s32.msk $0xffff, v1  }
0x175: {  	v5 =	vld [tilespmem:s31+$0x0];
	_ =	sdelay $0x1  }
0x176: {  	v8 =	vand.u32 $0x3FFF, v4;
	_ =	sdelay $0x2  }
0x177: {  	v9 =	vshrl.u32 v5, $0xE  }
0x178: {  	v4 =	vimm.f32 $0.0e+00;
	v6 =	vand.u32 $0x3FFF, v5;
	v10 =	vadd.s32 $0x1000, v9;
	_, v11, _ =	vpop (xrf1)  }
0x179: {  	s19 =	simm.s32 $0xC0;
	s18 =	simm.s32 $0x80;
	v5 =	vld.idx.msk [tilespmem:v8+s14+$0x0], $0xffff;
	v9 =	vand.u32 $0x7F, v9;
	v8 =	vand.u32 $0x7FF80, v10;
	(xrf1) =	vunique.msk.u32 $0xffff, v10;
	v7 =	vadd.s32 v11, v7  }
.LBB2_33:
0x17a: {  	p0 =	sne.s32 s19, $0xFFC0;
	v8 =	vor.u32 v9, v8;
	v7 =	vadd.s32 $0xFFFFFFFF, v7  }
0x17b: {  	v7 =	vcvt.s32.f32 v7;
	_ =	sdelay $0x1  }
0x17c: {  	v7 =	vadd.f32 $-8.191500000e+03, v7;
	_ =	sdelay $0x1  }
0x17d: {  	v10 =	vld.idx.msk [tilespmem:v8+s11+$0x0], $0xffff;
	v5 =	vmul.f32 v7, v5  }
0x17e: {  	s20 =	sshra.s32 s18, $0x2;
	s18 =	smov.u32 s19;
	[tilespmem:v8+s11+$0x0] =	vst.idx.add.s32.msk $0xffff, v1  }
0x17f: {  	v7 =	vld [tilespmem:s20+$0x0];
	v4 =	vadd.f32 v5, v4  }
0x180: {  	v5 =	vld.idx.msk [tilespmem:v6+s14+$0x0], $0xffff;
	_ =	sdelay $0x1  }
.Ltmp15:
0x181: {  	(pc) =	sbr.rel @p0 .LBB2_33-.Ltmp15, $4  }
0x182: {  	_ = 	snop  }
0x183: {  	v9 =	vshrl.u32 v7, $0xE;
	v6 =	vand.u32 $0x3FFF, v7  }
0x184: {  	v7 =	vadd.s32 $0x1000, v9;
	_, v11, _ =	vpop (xrf1)  }
0x185: {  	s19 =	sadd.s32 $0x40, s19;
	v9 =	vand.u32 $0x7F, v9;
	v8 =	vand.u32 $0x7FF80, v7;
	(xrf1) =	vunique.msk.u32 $0xffff, v7;
	v7 =	vadd.s32 v11, v10  }
0x186: {  	v8 =	vor.u32 v9, v8;
	_ =	sdelay $0x4  }
0x187: {  	v9 =	vld.idx.msk [tilespmem:v8+s11+$0x0], $0xffff  }
0x188: {  	s18 =	sshra.s32 s18, $0x2;
	[tilespmem:v8+s11+$0x0] =	vst.idx.add.s32.msk $0xffff, v1  }
0x189: {  	v8 =	vld [tilespmem:s18+$0x0];
	_ =	sdelay $0x4  }
0x18a: {  	v10 =	vshrl.u32 v8, $0xE  }
0x18b: {  	v11 =	vadd.s32 $0x1000, v10  }
0x18c: {  	(xrf1) =	vunique.msk.u32 $0xffff, v11;
	_ =	sdelay $0x3  }
0x18d: {  	v10 =	vand.u32 $0x7F, v10;
	v11 =	vand.u32 $0x7FF80, v11  }
0x18e: {  	v10 =	vor.u32 v10, v11;
	_ =	sdelay $0x4  }
0x18f: {  	v11 =	vld.idx.msk [tilespmem:v10+s11+$0x0], $0xffff  }
0x190: {  	v8 =	vand.u32 $0x3FFF, v8  }
0x191: {  	v7 =	vadd.s32 $0xFFFFFFFF, v7;
	_, v12, _ =	vpop (xrf1)  }
0x192: {  	v7 =	vcvt.s32.f32 v7;
	v9 =	vadd.s32 v12, v9  }
0x193: {  	v6 =	vld.idx.msk [tilespmem:v6+s14+$0x0], $0xffff;
	v9 =	vadd.s32 $0xFFFFFFFF, v9;
	_, v59, _ =	vpop (xrf1)  }
0x194: {  	v7 =	vadd.f32 $-8.191500000e+03, v7;
	v9 =	vcvt.s32.f32 v9;
	[tilespmem:v10+s11+$0x0] =	vst.idx.add.s32.msk $0xffff, v1;
	v60 =	vadd.s32 v59, v11  }
0x195: {  	v8 =	vld.idx.msk [tilespmem:v8+s14+$0x0], $0xffff;
	v10 =	vadd.s32 $0xFFFFFFFF, v60  }
0x196: {  	v5 =	vmul.f32 v7, v5;
	v61 =	vadd.f32 $-8.191500000e+03, v9;
	v62 =	vcvt.s32.f32 v10;
	_ =	sdelay $0x1  }
0x197: {  	s17 =	sadd.s32 $0x1, s17;
	v4 =	vadd.f32 v5, v4;
	v5 =	vmul.f32 v61, v6;
	v63 =	vadd.f32 $-8.191500000e+03, v62  }
0x198: {  	p0 =	sne.s32 s17, $0x4  }
.Ltmp16:
0x199: {  	v4 =	vadd.f32 v5, v4;
	v5 =	vmul.f32 v63, v8;
	(pc) =	sbr.rel @p0 .LBB2_2-.Ltmp16, $3  }
0x19a: {  	_ = 	snop  }
0x19b: {  	v4 =	vadd.f32 v5, v4;
	_ =	sdelay $0x1  }
0x19c: {  	v3 =	vadd.f32 v4, v3  }
0x19d: {  	s16 =	sadd.s32 $0x1, s16  }
0x19e: {  	p0 =	sne.s32 s16, s7  }
.Ltmp17:
0x19f: {  	[tilespmem:$0x11400] =	vst v3;
	(pc) =	sbr.rel @p0 .LBB2_1-.Ltmp17, $4  }
0x1a0: {  	[hbm4b:s6+s1] =	stream.linear.scatter [tilespmem:s15], [sflag:$0x1], $0x80, $0x38;
	[tilespmem:$0x11480] =	vst v63  }
0x1a1: {  	_ =	swait.ge [sflag:s10], $0x80  }
0x1a2: {  	[sflag:s10] =	ssyncset.done $0x0  }
0x1a3: {  	[sflag:s10] =	ssyncadd.s32 $0xFFFFFF80  }
0x1a4: {  	_ =	sfence.sel $0x180000  }
0x1a5: {  	[bflag:$0x0] =	sbarrier.arrive $0xFFFF  }
0x1a6: {  	p0 =	sne.s32 s2, $0x0;
	_ =	strace $0x90000047  }
0x1a7: {  	s0 =	sadd.s32 @!p0 $0x100000, s0;
	[bflag:$0x2] =	sbarrier.arrive $0xFFFF  }
0x1a8: {  	[sflag:s0] =	ssyncadd.tile.s32 @!p0 $0x1;
	_ =	shalt  }
.Lfunc_end2:
_tile_overlayer_lowered:
.L_overlay_start_2:
0x1a9: {  	(tag) =	ssettag $0x2  }
0x1aa: {  	s0 =	rddreg [dreg:$0x0];
	s2 =	stileid.u32  }
0x1ab: {  	s1 =	rddreg [dreg:$0x1];
	p0 =	sne.s32 s2, $0x0  }
0x1ac: {  	s3 =	rddreg [dreg:$0x2];
	[bflag:$0x3] =	sbarrier.arrive $0xFFFF;
	s2 =	simm.s32 @!p0 $0x1C01  }
0x1ad: {  	[timem:s3], [sflag:s2] =	dma.local @!p0 [hbm:s0], s1  }
0x1ae: {  	s0 =	simm.s32 @!p0 $0x1  }
0x1af: {  	_ =	swait.ge @!p0 [sflag:s0], s1  }
0x1b0: {  	s1 =	ssub.s32 @!p0 $0x0, s1;
	[sflag:s0] =	ssyncset.done @!p0 $0x0  }
0x1b1: {  	[sflag:s0] =	ssyncadd.s32 @!p0 s1  }
0x1b2: {  	[bflag:$0x3] =	sbarrier.arrive $0xFFFF  }
0x1b3: {  	_ =	shalt  }

</sc_bundles>
